<compile_context>
chip_gen: v7x
topology: tpu7x:2x2x1
jax: 0.10.2.dev20260603
libtpu: 0.0.44.dev20260713+nightly
codegen_flags: <defaults>
</compile_context>

<pallas_src>
import functools

import jax
import jax.numpy as jnp
from jax import lax
from jax.experimental import pallas as pl
from jax.experimental.pallas import tpu as pltpu
from jax.experimental.pallas import tpu_sc as plsc

_N = 10
_L = 16
_ROWS, _COLS = 2048, 2048
_NC, _NS = 2, 16
_NW = _NC * _NS
_ROWS_W = _ROWS // _NW
_BR = 8
_NCHUNK = _ROWS_W // _BR


def _build_tables(xs_v, ys_v, sl_v, a_ref, b_ref):
    li = lax.iota(jnp.int32, _L)
    lo = jnp.clip(li - 1, 0, _N - 2)
    hi = lo + 1
    xs_lo = plsc.load_gather(xs_v, [lo])
    xs_hi = plsc.load_gather(xs_v, [hi])
    ys_lo = plsc.load_gather(ys_v, [lo])
    ys_hi = plsc.load_gather(ys_v, [hi])
    b = (ys_hi - ys_lo) / (xs_hi - xs_lo)
    a = ys_lo - xs_lo * b
    xs_vec, ys_vec, sl_vec = xs_v[...], ys_v[...], sl_v[...]

    def lane(v, k):
        return jnp.sum(jnp.where(li == k, v, 0.0))

    s0 = lane(sl_vec, 0)
    s1 = lane(sl_vec, 1)
    xs0 = lane(xs_vec, 0)
    ys0 = lane(ys_vec, 0)
    xs_last = lane(xs_vec, _N - 1)
    ys_last = lane(ys_vec, _N - 1)
    fz = jnp.zeros((_L,), jnp.float32)
    m_left = li == 0
    b = jnp.where(m_left, fz + s0, b)
    a = jnp.where(m_left, fz + (ys0 - xs0 * s0), a)
    m_right = li >= _N
    b = jnp.where(m_right, fz + s1, b)
    a = jnp.where(m_right, fz + (ys_last - xs_last * s1), a)
    a_ref[...] = a
    b_ref[...] = b
    inv_h = (fz + (_N - 1).__float__()) / (fz + (xs_last - xs0))
    c0 = 1.0 - xs0 * inv_h
    return inv_h, c0


def _sc_kernel(x_hbm, xs_hbm, ys_hbm, sl_hbm, out_hbm,
               xs_v, ys_v, sl_v, a_v, b_v,
               xb0, xb1, ob0, ob1, isem0, isem1, osem0, osem1):
    wid = lax.axis_index("s") * _NC + lax.axis_index("c")
    row0 = wid * _ROWS_W
    xb = (xb0, xb1)
    ob = (ob0, ob1)
    isem = (isem0, isem1)
    osem = (osem0, osem1)

    pltpu.async_copy(x_hbm.at[pl.ds(row0, _BR), :], xb[0], isem[0])
    pltpu.async_copy(x_hbm.at[pl.ds(row0 + _BR, _BR), :], xb[1], isem[1])

    pltpu.sync_copy(xs_hbm, xs_v.at[pl.ds(0, _N)])
    pltpu.sync_copy(ys_hbm, ys_v.at[pl.ds(0, _N)])
    pltpu.sync_copy(sl_hbm, sl_v.at[pl.ds(0, 2)])
    inv_h, c0 = _build_tables(xs_v, ys_v, sl_v, a_v, b_v)
    top = jnp.zeros((_L,), jnp.float32) + _N.__float__()

    def compute(slot):
        xbuf, obuf = xb[slot], ob[slot]

        @plsc.parallel_loop(0, _BR * _COLS, step=_L, unroll=8)
        def _(j):
            r = j >> 11
            cc = j & (_COLS - 1)
            xv = xbuf[r, pl.ds(cc, _L)]
            t = xv * inv_h + c0
            t = jnp.minimum(jnp.maximum(t, 0.0), top)
            jj = t.astype(jnp.int32)
            av = plsc.load_gather(a_v, [jj])
            bv = plsc.load_gather(b_v, [jj])
            obuf[r, pl.ds(cc, _L)] = av + bv * xv

    def wait_in(slot):
        pltpu.make_async_copy(x_hbm.at[pl.ds(0, _BR), :], xb[slot],
                              isem[slot]).wait()

    def wait_out(slot):
        pltpu.make_async_copy(ob[slot], out_hbm.at[pl.ds(0, _BR), :],
                              osem[slot]).wait()

    nc2 = _NCHUNK // 2

    def chunk_pair(c2, carry):
        for slot in (0, 1):
            c = 2 * c2 + slot
            wait_in(slot)

            @pl.when(c2 >= 1)
            def _():
                wait_out(slot)

            compute(slot)
            pltpu.async_copy(
                ob[slot], out_hbm.at[pl.ds(row0 + c * _BR, _BR), :],
                osem[slot])

            @pl.when(c2 < nc2 - 1)
            def _():
                pltpu.async_copy(
                    x_hbm.at[pl.ds(row0 + (c + 2) * _BR, _BR), :],
                    xb[slot], isem[slot])
        return carry

    lax.fori_loop(0, nc2, chunk_pair, 0)
    wait_out(0)
    wait_out(1)


@jax.jit
def _piecewise(x, xs, ys, slopes):
    mesh = plsc.VectorSubcoreMesh(core_axis_name="c", subcore_axis_name="s",
                                  num_cores=_NC)
    run = functools.partial(
        pl.kernel,
        mesh=mesh,
        compiler_params=pltpu.CompilerParams(needs_layout_passes=False),
        out_type=jax.ShapeDtypeStruct((_ROWS, _COLS), jnp.float32),
        scratch_types=[
            pltpu.VMEM((_L,), jnp.float32),
            pltpu.VMEM((_L,), jnp.float32),
            pltpu.VMEM((_L,), jnp.float32),
            pltpu.VMEM((_L,), jnp.float32),
            pltpu.VMEM((_L,), jnp.float32),
            pltpu.VMEM((_BR, _COLS), jnp.float32),
            pltpu.VMEM((_BR, _COLS), jnp.float32),
            pltpu.VMEM((_BR, _COLS), jnp.float32),
            pltpu.VMEM((_BR, _COLS), jnp.float32),
            pltpu.SemaphoreType.DMA,
            pltpu.SemaphoreType.DMA,
            pltpu.SemaphoreType.DMA,
            pltpu.SemaphoreType.DMA,
        ],
    )(_sc_kernel)
    return run(x, xs, ys, slopes)


def kernel(x, xs, ys, slopes):
    return _piecewise(x, xs, ys, slopes)

# --- scband reference (transcript-rebuilt; emitter-appended) ---
"""Pipeline reference for scband-piecewise-activation-36704790512130 (READ-ONLY COPY).

The authoritative reference and input builder live on the scoring server;
editing this copy changes nothing except your own understanding.
"""

import jax, jax.numpy as jnp
import numpy as np

N_POINTS = 10
LEFT = -1.0
RIGHT = 1.0


def setup_inputs(seed: int = 0) -> dict:
    key = jax.random.key(seed)
    k1, k2 = jax.random.split(key, 2)
    # forward input: values strictly inside [0,1) subset of [LEFT, RIGHT]
    x = jax.random.uniform(k1, (2048, 2048), dtype=jnp.float32)
    # buffer: knot x-positions (not a parameter in the torch module)
    xs = jnp.linspace(LEFT, RIGHT, N_POINTS, dtype=jnp.float32)
    # parameter: knot y-values, cumsum of scaled gaussian noise
    scale = (RIGHT - LEFT) / (N_POINTS - 1)
    ys = jnp.cumsum(jax.random.normal(k2, (N_POINTS,), dtype=jnp.float32) * scale, axis=0)
    # parameter: extrapolation slopes [left_slope, right_slope]
    slopes = jnp.array([0.0, 1.0], dtype=jnp.float32)
    return {"x": x, "xs": xs, "ys": ys, "slopes": slopes}


def reference(x, xs, ys, slopes):
    in_shape = x.shape
    xf = x.reshape(-1)
    # [N, n_points] signed distances to each knot
    diff = xf[:, None] - xs[None, :]
    # nearest knot to the left: smallest positive diff
    left_endpt = jnp.argmin(jnp.where(diff > 0, diff, jnp.inf), axis=1)
    # nearest knot to the right: largest negative diff
    right_endpt = jnp.argmax(jnp.where(diff < 0, diff, -jnp.inf), axis=1)
    out = ys[left_endpt] + (xf - xs[left_endpt]) * (ys[right_endpt] - ys[left_endpt]) / (xs[right_endpt] - xs[left_endpt])
    out = jnp.where(xf < xs[0], ys[0] - (xs[0] - xf) * slopes[0], out)
    out = jnp.where(xf > xs[-1], ys[-1] + (xf - xs[-1]) * slopes[1], out)
    return out.reshape(in_shape)

if __name__ == "__main__":
    import jax
    _d = setup_inputs()
    print(jax.jit(kernel)(*tuple(_d.values())))

</pallas_src>

<mosaic_0001>
#map = affine_map<(d0, d1) -> (0, 0)>
#map1 = affine_map<(d0, d1) -> (0)>
module attributes {stable_mosaic.version = 14 : i64} {
  func.func @_sc_kernel(%arg0: i32, %arg1: i32, %arg2: memref<2048x2048xf32, #tpu.memory_space<hbm>>, %arg3: memref<10xf32, #tpu.memory_space<hbm>>, %arg4: memref<10xf32, #tpu.memory_space<hbm>>, %arg5: memref<2xf32, #tpu.memory_space<hbm>>, %arg6: memref<2048x2048xf32, #tpu.memory_space<hbm>>, %arg7: memref<16xf32, #tpu.memory_space<vmem>>, %arg8: memref<16xf32, #tpu.memory_space<vmem>>, %arg9: memref<16xf32, #tpu.memory_space<vmem>>, %arg10: memref<16xf32, #tpu.memory_space<vmem>>, %arg11: memref<16xf32, #tpu.memory_space<vmem>>, %arg12: memref<8x2048xf32, #tpu.memory_space<vmem>>, %arg13: memref<8x2048xf32, #tpu.memory_space<vmem>>, %arg14: memref<8x2048xf32, #tpu.memory_space<vmem>>, %arg15: memref<8x2048xf32, #tpu.memory_space<vmem>>, %arg16: memref<!tpu.dma_semaphore, #tpu.memory_space<semaphore_mem>>, %arg17: memref<!tpu.dma_semaphore, #tpu.memory_space<semaphore_mem>>, %arg18: memref<!tpu.dma_semaphore, #tpu.memory_space<semaphore_mem>>, %arg19: memref<!tpu.dma_semaphore, #tpu.memory_space<semaphore_mem>>) attributes {dimension_semantics = [#tpu.dimension_semantics<core_parallel>, #tpu.dimension_semantics<subcore_parallel>], iteration_bounds = array<i64: 2, 16>, scalar_prefetch = 0 : i64, scratch_operands = 13 : i64, tpu.core_type = #tpu.core_type<sc_vector_subcore>, window_params = [{transform_indices = #map}, {transform_indices = #map1}, {transform_indices = #map1}, {transform_indices = #map1}, {transform_indices = #map}]} {
    %mul3A = arith.constant 2 : i32
    %mul3A_0 = arith.muli %arg1, %mul3A : i32
    %add3A = arith.addi %mul3A_0, %arg0 : i32
    %mul3A_1 = arith.constant 64 : i32
    %mul3A_2 = arith.muli %add3A, %mul3A_1 : i32
    %dma_start3A = arith.constant 0 : i32
    %dma_start3A_3 = tpu.memref_slice %arg2[%mul3A_2, %dma_start3A] : memref<2048x2048xf32, #tpu.memory_space<hbm>> -> memref<8x2048xf32, #tpu.memory_space<hbm>>
    %dma_start3A_4 = arith.constant 0 : i32
    %dma_start3A_5 = tpu.memref_slice %arg2[%mul3A_2, %dma_start3A_4] : memref<2048x2048xf32, #tpu.memory_space<hbm>> -> memref<8x2048xf32, #tpu.memory_space<hbm>>
    tpu.enqueue_dma source(%dma_start3A_5 : memref<8x2048xf32, #tpu.memory_space<hbm>>) target(%arg12 : memref<8x2048xf32, #tpu.memory_space<vmem>>) target_semaphore(%arg16 : memref<!tpu.dma_semaphore, #tpu.memory_space<semaphore_mem>>)
    %add3A_6 = arith.constant 8 : i32
    %add3A_7 = arith.addi %mul3A_2, %add3A_6 : i32
    %dma_start3A_8 = arith.constant 0 : i32
    %dma_start3A_9 = tpu.memref_slice %arg2[%add3A_7, %dma_start3A_8] : memref<2048x2048xf32, #tpu.memory_space<hbm>> -> memref<8x2048xf32, #tpu.memory_space<hbm>>
    %dma_start3A_10 = arith.constant 0 : i32
    %dma_start3A_11 = tpu.memref_slice %arg2[%add3A_7, %dma_start3A_10] : memref<2048x2048xf32, #tpu.memory_space<hbm>> -> memref<8x2048xf32, #tpu.memory_space<hbm>>
    tpu.enqueue_dma source(%dma_start3A_11 : memref<8x2048xf32, #tpu.memory_space<hbm>>) target(%arg13 : memref<8x2048xf32, #tpu.memory_space<vmem>>) target_semaphore(%arg17 : memref<!tpu.dma_semaphore, #tpu.memory_space<semaphore_mem>>)
    "tpu.region"() ({
      %run_scoped3A = tpu.sem_alloc : memref<!tpu.dma_semaphore, #tpu.memory_space<semaphore_mem>>
      %dma_start3A_147 = arith.constant 0 : i32
      %dma_start3A_148 = tpu.memref_slice %arg7[%dma_start3A_147] : memref<16xf32, #tpu.memory_space<vmem>> -> memref<10xf32, #tpu.memory_space<vmem>>
      %dma_start3A_149 = arith.constant 0 : i32
      %dma_start3A_150 = tpu.memref_slice %arg7[%dma_start3A_149] : memref<16xf32, #tpu.memory_space<vmem>> -> memref<10xf32, #tpu.memory_space<vmem>>
      tpu.enqueue_dma source(%arg3 : memref<10xf32, #tpu.memory_space<hbm>>) target(%dma_start3A_150 : memref<10xf32, #tpu.memory_space<vmem>>) target_semaphore(%run_scoped3A : memref<!tpu.dma_semaphore, #tpu.memory_space<semaphore_mem>>)
      %dma_wait3A_151 = arith.constant 0 : i32
      %dma_wait3A_152 = tpu.memref_slice %arg7[%dma_wait3A_151] : memref<16xf32, #tpu.memory_space<vmem>> -> memref<10xf32, #tpu.memory_space<vmem>>
      %dma_wait3A_153 = arith.constant 0 : i32
      %dma_wait3A_154 = tpu.memref_slice %arg7[%dma_wait3A_153] : memref<16xf32, #tpu.memory_space<vmem>> -> memref<10xf32, #tpu.memory_space<vmem>>
      tpu.wait_dma2 semaphore(%run_scoped3A : memref<!tpu.dma_semaphore, #tpu.memory_space<semaphore_mem>>) src(%arg3 : memref<10xf32, #tpu.memory_space<hbm>>) dst(%dma_wait3A_154 : memref<10xf32, #tpu.memory_space<vmem>>)
      tpu.yield
    }) : () -> ()
    "tpu.region"() ({
      %run_scoped3A = tpu.sem_alloc : memref<!tpu.dma_semaphore, #tpu.memory_space<semaphore_mem>>
      %dma_start3A_147 = arith.constant 0 : i32
      %dma_start3A_148 = tpu.memref_slice %arg8[%dma_start3A_147] : memref<16xf32, #tpu.memory_space<vmem>> -> memref<10xf32, #tpu.memory_space<vmem>>
      %dma_start3A_149 = arith.constant 0 : i32
      %dma_start3A_150 = tpu.memref_slice %arg8[%dma_start3A_149] : memref<16xf32, #tpu.memory_space<vmem>> -> memref<10xf32, #tpu.memory_space<vmem>>
      tpu.enqueue_dma source(%arg4 : memref<10xf32, #tpu.memory_space<hbm>>) target(%dma_start3A_150 : memref<10xf32, #tpu.memory_space<vmem>>) target_semaphore(%run_scoped3A : memref<!tpu.dma_semaphore, #tpu.memory_space<semaphore_mem>>)
      %dma_wait3A_151 = arith.constant 0 : i32
      %dma_wait3A_152 = tpu.memref_slice %arg8[%dma_wait3A_151] : memref<16xf32, #tpu.memory_space<vmem>> -> memref<10xf32, #tpu.memory_space<vmem>>
      %dma_wait3A_153 = arith.constant 0 : i32
      %dma_wait3A_154 = tpu.memref_slice %arg8[%dma_wait3A_153] : memref<16xf32, #tpu.memory_space<vmem>> -> memref<10xf32, #tpu.memory_space<vmem>>
      tpu.wait_dma2 semaphore(%run_scoped3A : memref<!tpu.dma_semaphore, #tpu.memory_space<semaphore_mem>>) src(%arg4 : memref<10xf32, #tpu.memory_space<hbm>>) dst(%dma_wait3A_154 : memref<10xf32, #tpu.memory_space<vmem>>)
      tpu.yield
    }) : () -> ()
    "tpu.region"() ({
      %run_scoped3A = tpu.sem_alloc : memref<!tpu.dma_semaphore, #tpu.memory_space<semaphore_mem>>
      %dma_start3A_147 = arith.constant 0 : i32
      %dma_start3A_148 = tpu.memref_slice %arg9[%dma_start3A_147] : memref<16xf32, #tpu.memory_space<vmem>> -> memref<2xf32, #tpu.memory_space<vmem>>
      %dma_start3A_149 = arith.constant 0 : i32
      %dma_start3A_150 = tpu.memref_slice %arg9[%dma_start3A_149] : memref<16xf32, #tpu.memory_space<vmem>> -> memref<2xf32, #tpu.memory_space<vmem>>
      tpu.enqueue_dma source(%arg5 : memref<2xf32, #tpu.memory_space<hbm>>) target(%dma_start3A_150 : memref<2xf32, #tpu.memory_space<vmem>>) target_semaphore(%run_scoped3A : memref<!tpu.dma_semaphore, #tpu.memory_space<semaphore_mem>>)
      %dma_wait3A_151 = arith.constant 0 : i32
      %dma_wait3A_152 = tpu.memref_slice %arg9[%dma_wait3A_151] : memref<16xf32, #tpu.memory_space<vmem>> -> memref<2xf32, #tpu.memory_space<vmem>>
      %dma_wait3A_153 = arith.constant 0 : i32
      %dma_wait3A_154 = tpu.memref_slice %arg9[%dma_wait3A_153] : memref<16xf32, #tpu.memory_space<vmem>> -> memref<2xf32, #tpu.memory_space<vmem>>
      tpu.wait_dma2 semaphore(%run_scoped3A : memref<!tpu.dma_semaphore, #tpu.memory_space<semaphore_mem>>) src(%arg5 : memref<2xf32, #tpu.memory_space<hbm>>) dst(%dma_wait3A_154 : memref<2xf32, #tpu.memory_space<vmem>>)
      tpu.yield
    }) : () -> ()
    %iota3A = tpu.iota {dimensions = array<i32: 0>} : vector<16xi32>
    %sub3A = arith.constant 1 : i32
    %sub3A_12 = vector.broadcast %sub3A : i32 to vector<16xi32>
    %sub3A_13 = arith.subi %iota3A, %sub3A_12 : vector<16xi32>
    %jit3A = arith.constant 0 : i32
    %jit3A_14 = arith.constant 8 : i32
    %max3A = vector.broadcast %jit3A : i32 to vector<16xi32>
    %max3A_15 = arith.maxsi %max3A, %sub3A_13 : vector<16xi32>
    %min3A = vector.broadcast %jit3A_14 : i32 to vector<16xi32>
    %min3A_16 = arith.minsi %min3A, %max3A_15 : vector<16xi32>
    %add3A_17 = arith.constant 1 : i32
    %add3A_18 = vector.broadcast %add3A_17 : i32 to vector<16xi32>
    %add3A_19 = arith.addi %min3A_16, %add3A_18 : vector<16xi32>
    %gather3A = tpu.vector_load_idx %arg7[%min3A_16] : memref<16xf32, #tpu.memory_space<vmem>>[vector<16xi32>], vector<16xf32>,
    %gather3A_20 = tpu.vector_load_idx %arg7[%add3A_19] : memref<16xf32, #tpu.memory_space<vmem>>[vector<16xi32>], vector<16xf32>,
    %gather3A_21 = tpu.vector_load_idx %arg8[%min3A_16] : memref<16xf32, #tpu.memory_space<vmem>>[vector<16xi32>], vector<16xf32>,
    %gather3A_22 = tpu.vector_load_idx %arg8[%add3A_19] : memref<16xf32, #tpu.memory_space<vmem>>[vector<16xi32>], vector<16xf32>,
    %sub3A_23 = arith.subf %gather3A_22, %gather3A_21 : vector<16xf32>
    %sub3A_24 = arith.subf %gather3A_20, %gather3A : vector<16xf32>
    %div3A = arith.divf %sub3A_23, %sub3A_24 : vector<16xf32>
    %mul3A_25 = arith.mulf %gather3A, %div3A : vector<16xf32>
    %sub3A_26 = arith.subf %gather3A_21, %mul3A_25 : vector<16xf32>
    %get3A = arith.constant 0 : index
    %get3A_27 = tpu.vector_load %arg7[%get3A] {strides = array<i32>} : memref<16xf32, #tpu.memory_space<vmem>>, vector<16xf32>,
    %get3A_28 = arith.constant 0 : index
    %get3A_29 = tpu.vector_load %arg8[%get3A_28] {strides = array<i32>} : memref<16xf32, #tpu.memory_space<vmem>>, vector<16xf32>,
    %get3A_30 = arith.constant 0 : index
    %get3A_31 = tpu.vector_load %arg9[%get3A_30] {strides = array<i32>} : memref<16xf32, #tpu.memory_space<vmem>>, vector<16xf32>,
    %eq3A = arith.constant 0 : i32
    %eq3A_32 = vector.broadcast %eq3A : i32 to vector<16xi32>
    %eq3A_33 = arith.cmpi eq, %iota3A, %eq3A_32 : vector<16xi32>
    %jit3A_34 = arith.constant 0.000000e+00 : f32
    %broadcast_in_dim3A = vector.broadcast %jit3A_34 : f32 to vector<16xf32>
    %select_n3A = arith.select %eq3A_33, %get3A_31, %broadcast_in_dim3A : vector<16xi1>, vector<16xf32>
    %reduce_sum3A = arith.constant true
    %reduce_sum3A_35 = vector.broadcast %reduce_sum3A : i1 to vector<16xi1>
    %reduce_sum3A_36 = tpu.scan <sum>, %select_n3A masked %reduce_sum3A_35 : vector<16xf32>, vector<16xi1> -> vector<16xf32>
    %reduce_sum3A_37 = vector.extract %reduce_sum3A_36[15] : f32 from vector<16xf32>
    %eq3A_38 = arith.constant 1 : i32
    %eq3A_39 = vector.broadcast %eq3A_38 : i32 to vector<16xi32>
    %eq3A_40 = arith.cmpi eq, %iota3A, %eq3A_39 : vector<16xi32>
    %jit3A_41 = arith.constant 0.000000e+00 : f32
    %broadcast_in_dim3A_42 = vector.broadcast %jit3A_41 : f32 to vector<16xf32>
    %select_n3A_43 = arith.select %eq3A_40, %get3A_31, %broadcast_in_dim3A_42 : vector<16xi1>, vector<16xf32>
    %reduce_sum3A_44 = arith.constant true
    %reduce_sum3A_45 = vector.broadcast %reduce_sum3A_44 : i1 to vector<16xi1>
    %reduce_sum3A_46 = tpu.scan <sum>, %select_n3A_43 masked %reduce_sum3A_45 : vector<16xf32>, vector<16xi1> -> vector<16xf32>
    %reduce_sum3A_47 = vector.extract %reduce_sum3A_46[15] : f32 from vector<16xf32>
    %eq3A_48 = arith.constant 0 : i32
    %eq3A_49 = vector.broadcast %eq3A_48 : i32 to vector<16xi32>
    %eq3A_50 = arith.cmpi eq, %iota3A, %eq3A_49 : vector<16xi32>
    %jit3A_51 = arith.constant 0.000000e+00 : f32
    %broadcast_in_dim3A_52 = vector.broadcast %jit3A_51 : f32 to vector<16xf32>
    %select_n3A_53 = arith.select %eq3A_50, %get3A_27, %broadcast_in_dim3A_52 : vector<16xi1>, vector<16xf32>
    %reduce_sum3A_54 = arith.constant true
    %reduce_sum3A_55 = vector.broadcast %reduce_sum3A_54 : i1 to vector<16xi1>
    %reduce_sum3A_56 = tpu.scan <sum>, %select_n3A_53 masked %reduce_sum3A_55 : vector<16xf32>, vector<16xi1> -> vector<16xf32>
    %reduce_sum3A_57 = vector.extract %reduce_sum3A_56[15] : f32 from vector<16xf32>
    %eq3A_58 = arith.constant 0 : i32
    %eq3A_59 = vector.broadcast %eq3A_58 : i32 to vector<16xi32>
    %eq3A_60 = arith.cmpi eq, %iota3A, %eq3A_59 : vector<16xi32>
    %jit3A_61 = arith.constant 0.000000e+00 : f32
    %broadcast_in_dim3A_62 = vector.broadcast %jit3A_61 : f32 to vector<16xf32>
    %select_n3A_63 = arith.select %eq3A_60, %get3A_29, %broadcast_in_dim3A_62 : vector<16xi1>, vector<16xf32>
    %reduce_sum3A_64 = arith.constant true
    %reduce_sum3A_65 = vector.broadcast %reduce_sum3A_64 : i1 to vector<16xi1>
    %reduce_sum3A_66 = tpu.scan <sum>, %select_n3A_63 masked %reduce_sum3A_65 : vector<16xf32>, vector<16xi1> -> vector<16xf32>
    %reduce_sum3A_67 = vector.extract %reduce_sum3A_66[15] : f32 from vector<16xf32>
    %eq3A_68 = arith.constant 9 : i32
    %eq3A_69 = vector.broadcast %eq3A_68 : i32 to vector<16xi32>
    %eq3A_70 = arith.cmpi eq, %iota3A, %eq3A_69 : vector<16xi32>
    %jit3A_71 = arith.constant 0.000000e+00 : f32
    %broadcast_in_dim3A_72 = vector.broadcast %jit3A_71 : f32 to vector<16xf32>
    %select_n3A_73 = arith.select %eq3A_70, %get3A_27, %broadcast_in_dim3A_72 : vector<16xi1>, vector<16xf32>
    %reduce_sum3A_74 = arith.constant true
    %reduce_sum3A_75 = vector.broadcast %reduce_sum3A_74 : i1 to vector<16xi1>
    %reduce_sum3A_76 = tpu.scan <sum>, %select_n3A_73 masked %reduce_sum3A_75 : vector<16xf32>, vector<16xi1> -> vector<16xf32>
    %reduce_sum3A_77 = vector.extract %reduce_sum3A_76[15] : f32 from vector<16xf32>
    %eq3A_78 = arith.constant 9 : i32
    %eq3A_79 = vector.broadcast %eq3A_78 : i32 to vector<16xi32>
    %eq3A_80 = arith.cmpi eq, %iota3A, %eq3A_79 : vector<16xi32>
    %jit3A_81 = arith.constant 0.000000e+00 : f32
    %broadcast_in_dim3A_82 = vector.broadcast %jit3A_81 : f32 to vector<16xf32>
    %select_n3A_83 = arith.select %eq3A_80, %get3A_29, %broadcast_in_dim3A_82 : vector<16xi1>, vector<16xf32>
    %reduce_sum3A_84 = arith.constant true
    %reduce_sum3A_85 = vector.broadcast %reduce_sum3A_84 : i1 to vector<16xi1>
    %reduce_sum3A_86 = tpu.scan <sum>, %select_n3A_83 masked %reduce_sum3A_85 : vector<16xf32>, vector<16xi1> -> vector<16xf32>
    %reduce_sum3A_87 = vector.extract %reduce_sum3A_86[15] : f32 from vector<16xf32>
    %broadcast_in_dim3A_88 = arith.constant 0.000000e+00 : f32
    %broadcast_in_dim3A_89 = vector.broadcast %broadcast_in_dim3A_88 : f32 to vector<16xf32>
    %eq3A_90 = arith.constant 0 : i32
    %eq3A_91 = vector.broadcast %eq3A_90 : i32 to vector<16xi32>
    %eq3A_92 = arith.cmpi eq, %iota3A, %eq3A_91 : vector<16xi32>
    %add3A_93 = vector.broadcast %reduce_sum3A_37 : f32 to vector<16xf32>
    %add3A_94 = arith.addf %broadcast_in_dim3A_89, %add3A_93 : vector<16xf32>
    %select_n3A_95 = arith.select %eq3A_92, %add3A_94, %div3A : vector<16xi1>, vector<16xf32>
    %mul3A_96 = arith.mulf %reduce_sum3A_57, %reduce_sum3A_37 : f32
    %sub3A_97 = arith.subf %reduce_sum3A_67, %mul3A_96 : f32
    %add3A_98 = vector.broadcast %sub3A_97 : f32 to vector<16xf32>
    %add3A_99 = arith.addf %broadcast_in_dim3A_89, %add3A_98 : vector<16xf32>
    %select_n3A_100 = arith.select %eq3A_92, %add3A_99, %sub3A_26 : vector<16xi1>, vector<16xf32>
    %ge3A = arith.constant 10 : i32
    %ge3A_101 = vector.broadcast %ge3A : i32 to vector<16xi32>
    %ge3A_102 = arith.cmpi sge, %iota3A, %ge3A_101 : vector<16xi32>
    %add3A_103 = vector.broadcast %reduce_sum3A_47 : f32 to vector<16xf32>
    %add3A_104 = arith.addf %broadcast_in_dim3A_89, %add3A_103 : vector<16xf32>
    %select_n3A_105 = arith.select %ge3A_102, %add3A_104, %select_n3A_95 : vector<16xi1>, vector<16xf32>
    %mul3A_106 = arith.mulf %reduce_sum3A_77, %reduce_sum3A_47 : f32
    %sub3A_107 = arith.subf %reduce_sum3A_87, %mul3A_106 : f32
    %add3A_108 = vector.broadcast %sub3A_107 : f32 to vector<16xf32>
    %add3A_109 = arith.addf %broadcast_in_dim3A_89, %add3A_108 : vector<16xf32>
    %select_n3A_110 = arith.select %ge3A_102, %add3A_109, %select_n3A_100 : vector<16xi1>, vector<16xf32>
    %swap3A = arith.constant 0 : index
    %swap3A_111 = tpu.vector_load %arg10[%swap3A] {strides = array<i32>} : memref<16xf32, #tpu.memory_space<vmem>>, vector<16xf32>,
    tpu.vector_store %arg10[%swap3A], %select_n3A_110 {strides = array<i32>} : memref<16xf32, #tpu.memory_space<vmem>>, vector<16xf32>,
    %swap3A_112 = arith.constant 0 : index
    %swap3A_113 = tpu.vector_load %arg11[%swap3A_112] {strides = array<i32>} : memref<16xf32, #tpu.memory_space<vmem>>, vector<16xf32>,
    tpu.vector_store %arg11[%swap3A_112], %select_n3A_105 {strides = array<i32>} : memref<16xf32, #tpu.memory_space<vmem>>, vector<16xf32>,
    %add3A_114 = arith.constant 9.000000e+00 : f32
    %add3A_115 = vector.broadcast %add3A_114 : f32 to vector<16xf32>
    %add3A_116 = arith.addf %broadcast_in_dim3A_89, %add3A_115 : vector<16xf32>
    %sub3A_117 = arith.subf %reduce_sum3A_77, %reduce_sum3A_57 : f32
    %add3A_118 = vector.broadcast %sub3A_117 : f32 to vector<16xf32>
    %add3A_119 = arith.addf %broadcast_in_dim3A_89, %add3A_118 : vector<16xf32>
    %div3A_120 = arith.divf %add3A_116, %add3A_119 : vector<16xf32>
    %mul3A_121 = vector.broadcast %reduce_sum3A_57 : f32 to vector<16xf32>
    %mul3A_122 = arith.mulf %mul3A_121, %div3A_120 : vector<16xf32>
    %sub3A_123 = arith.constant 1.000000e+00 : f32
    %sub3A_124 = vector.broadcast %sub3A_123 : f32 to vector<16xf32>
    %sub3A_125 = arith.subf %sub3A_124, %mul3A_122 : vector<16xf32>
    %broadcast_in_dim3A_126 = arith.constant 0.000000e+00 : f32
    %broadcast_in_dim3A_127 = vector.broadcast %broadcast_in_dim3A_126 : f32 to vector<16xf32>
    %add3A_128 = arith.constant 1.000000e+01 : f32
    %add3A_129 = vector.broadcast %add3A_128 : f32 to vector<16xf32>
    %add3A_130 = arith.addf %broadcast_in_dim3A_127, %add3A_129 : vector<16xf32>
    %scan3A = arith.constant 0 : i32
    %scan3A_131 = arith.constant 0 : i32
    %scan3A_132 = arith.constant 4 : i32
    %scan3A_133 = arith.addi %scan3A_131, %scan3A_132 : i32
    %scan3A_134 = arith.constant 1 : i32
    scf.for %scan3A_147 = %scan3A_131 to %scan3A_133 step %scan3A_134  : i32 {
      %mul3A_148 = arith.constant 2 : i32
      %mul3A_149 = arith.muli %mul3A_148, %scan3A_147 : i32
      %add3A_150 = arith.constant 0 : i32
      %add3A_151 = arith.addi %mul3A_149, %add3A_150 : i32
      %dma_wait3A_152 = arith.constant 0 : i32
      %dma_wait3A_153 = arith.constant 0 : i32
      %dma_wait3A_154 = tpu.memref_slice %arg2[%dma_wait3A_152, %dma_wait3A_153] : memref<2048x2048xf32, #tpu.memory_space<hbm>> -> memref<8x2048xf32, #tpu.memory_space<hbm>>
      %dma_wait3A_155 = arith.constant 0 : i32
      %dma_wait3A_156 = arith.constant 0 : i32
      %dma_wait3A_157 = tpu.memref_slice %arg2[%dma_wait3A_155, %dma_wait3A_156] : memref<2048x2048xf32, #tpu.memory_space<hbm>> -> memref<8x2048xf32, #tpu.memory_space<hbm>>
      tpu.wait_dma2 semaphore(%arg16 : memref<!tpu.dma_semaphore, #tpu.memory_space<semaphore_mem>>) src(%dma_wait3A_157 : memref<8x2048xf32, #tpu.memory_space<hbm>>) dst(%arg12 : memref<8x2048xf32, #tpu.memory_space<vmem>>)
      %ge3A_158 = arith.constant 1 : i32
      %ge3A_159 = arith.cmpi sge, %scan3A_147, %ge3A_158 : i32
      %convert_element_type3A = arith.extui %ge3A_159 : i1 to i32
      %cond3A = arith.constant 0 : i32
      %cond3A_160 = arith.cmpi ne, %convert_element_type3A, %cond3A : i32
      scf.if %cond3A_160 {
        %dma_wait3A_204 = arith.constant 0 : i32
        %dma_wait3A_205 = arith.constant 0 : i32
        %dma_wait3A_206 = tpu.memref_slice %arg6[%dma_wait3A_204, %dma_wait3A_205] : memref<2048x2048xf32, #tpu.memory_space<hbm>> -> memref<8x2048xf32, #tpu.memory_space<hbm>>
        %dma_wait3A_207 = arith.constant 0 : i32
        %dma_wait3A_208 = arith.constant 0 : i32
        %dma_wait3A_209 = tpu.memref_slice %arg6[%dma_wait3A_207, %dma_wait3A_208] : memref<2048x2048xf32, #tpu.memory_space<hbm>> -> memref<8x2048xf32, #tpu.memory_space<hbm>>
        tpu.wait_dma2 semaphore(%arg18 : memref<!tpu.dma_semaphore, #tpu.memory_space<semaphore_mem>>) src(%arg14 : memref<8x2048xf32, #tpu.memory_space<vmem>>) dst(%dma_wait3A_209 : memref<8x2048xf32, #tpu.memory_space<hbm>>)
      } else {
      }
      %parallel_loop3A = arith.constant 0 : i32
      %parallel_loop3A_161 = arith.constant 16384 : i32
      %parallel_loop3A_162 = arith.constant 16 : i32
      scf.for %parallel_loop3A_204 = %parallel_loop3A to %parallel_loop3A_161 step %parallel_loop3A_162  : i32 {
        %parallel_loop3A_205 = arith.constant 11 : i32
        %parallel_loop3A_206 = arith.shrsi %parallel_loop3A_204, %parallel_loop3A_205 : i32
        %parallel_loop3A_207 = arith.constant 2047 : i32
        %parallel_loop3A_208 = arith.andi %parallel_loop3A_204, %parallel_loop3A_207 : i32
        %parallel_loop3A_209 = arith.index_cast %parallel_loop3A_206 : i32 to index
        %parallel_loop3A_210 = arith.index_cast %parallel_loop3A_208 : i32 to index
        %parallel_loop3A_211 = tpu.vector_load %arg12[%parallel_loop3A_209, %parallel_loop3A_210] {strides = array<i32>} : memref<8x2048xf32, #tpu.memory_space<vmem>>, vector<16xf32>,
        %parallel_loop3A_212 = arith.mulf %parallel_loop3A_211, %div3A_120 : vector<16xf32>
        %parallel_loop3A_213 = arith.addf %parallel_loop3A_212, %sub3A_125 : vector<16xf32>
        %parallel_loop3A_214 = arith.constant 0.000000e+00 : f32
        %parallel_loop3A_215 = vector.broadcast %parallel_loop3A_214 : f32 to vector<16xf32>
        %parallel_loop3A_216 = arith.maximumf %parallel_loop3A_213, %parallel_loop3A_215 : vector<16xf32>
        %parallel_loop3A_217 = arith.minimumf %parallel_loop3A_216, %add3A_130 : vector<16xf32>
        %parallel_loop3A_218 = arith.fptosi %parallel_loop3A_217 : vector<16xf32> to vector<16xi32>
        %parallel_loop3A_219 = tpu.vector_load_idx %arg10[%parallel_loop3A_218] : memref<16xf32, #tpu.memory_space<vmem>>[vector<16xi32>], vector<16xf32>,
        %parallel_loop3A_220 = tpu.vector_load_idx %arg11[%parallel_loop3A_218] : memref<16xf32, #tpu.memory_space<vmem>>[vector<16xi32>], vector<16xf32>,
        %parallel_loop3A_221 = arith.mulf %parallel_loop3A_220, %parallel_loop3A_211 : vector<16xf32>
        %parallel_loop3A_222 = arith.addf %parallel_loop3A_219, %parallel_loop3A_221 : vector<16xf32>
        %parallel_loop3A_223 = arith.index_cast %parallel_loop3A_206 : i32 to index
        %parallel_loop3A_224 = arith.index_cast %parallel_loop3A_208 : i32 to index
        %parallel_loop3A_225 = tpu.vector_load %arg14[%parallel_loop3A_223, %parallel_loop3A_224] {strides = array<i32>} : memref<8x2048xf32, #tpu.memory_space<vmem>>, vector<16xf32>,
        tpu.vector_store %arg14[%parallel_loop3A_223, %parallel_loop3A_224], %parallel_loop3A_222 {strides = array<i32>} : memref<8x2048xf32, #tpu.memory_space<vmem>>, vector<16xf32>,
      } {sc.loop_unroll_factor = 8 : i64, sc.parallel_access}
      %mul3A_163 = arith.constant 8 : i32
      %mul3A_164 = arith.muli %add3A_151, %mul3A_163 : i32
      %add3A_165 = arith.addi %mul3A_2, %mul3A_164 : i32
      %dma_start3A_166 = arith.constant 0 : i32
      %dma_start3A_167 = tpu.memref_slice %arg6[%add3A_165, %dma_start3A_166] : memref<2048x2048xf32, #tpu.memory_space<hbm>> -> memref<8x2048xf32, #tpu.memory_space<hbm>>
      %dma_start3A_168 = arith.constant 0 : i32
      %dma_start3A_169 = tpu.memref_slice %arg6[%add3A_165, %dma_start3A_168] : memref<2048x2048xf32, #tpu.memory_space<hbm>> -> memref<8x2048xf32, #tpu.memory_space<hbm>>
      tpu.enqueue_dma source(%arg14 : memref<8x2048xf32, #tpu.memory_space<vmem>>) target(%dma_start3A_169 : memref<8x2048xf32, #tpu.memory_space<hbm>>) target_semaphore(%arg18 : memref<!tpu.dma_semaphore, #tpu.memory_space<semaphore_mem>>)
      %lt3A = arith.constant 3 : i32
      %lt3A_170 = arith.cmpi slt, %scan3A_147, %lt3A : i32
      %convert_element_type3A_171 = arith.extui %lt3A_170 : i1 to i32
      %cond3A_172 = arith.constant 0 : i32
      %cond3A_173 = arith.cmpi ne, %convert_element_type3A_171, %cond3A_172 : i32
      scf.if %cond3A_173 {
        %add3A_204 = arith.constant 2 : i32
        %add3A_205 = arith.addi %add3A_151, %add3A_204 : i32
        %mul3A_206 = arith.constant 8 : i32
        %mul3A_207 = arith.muli %add3A_205, %mul3A_206 : i32
        %add3A_208 = arith.addi %mul3A_2, %mul3A_207 : i32
        %dma_start3A_209 = arith.constant 0 : i32
        %dma_start3A_210 = tpu.memref_slice %arg2[%add3A_208, %dma_start3A_209] : memref<2048x2048xf32, #tpu.memory_space<hbm>> -> memref<8x2048xf32, #tpu.memory_space<hbm>>
        %dma_start3A_211 = arith.constant 0 : i32
        %dma_start3A_212 = tpu.memref_slice %arg2[%add3A_208, %dma_start3A_211] : memref<2048x2048xf32, #tpu.memory_space<hbm>> -> memref<8x2048xf32, #tpu.memory_space<hbm>>
        tpu.enqueue_dma source(%dma_start3A_212 : memref<8x2048xf32, #tpu.memory_space<hbm>>) target(%arg12 : memref<8x2048xf32, #tpu.memory_space<vmem>>) target_semaphore(%arg16 : memref<!tpu.dma_semaphore, #tpu.memory_space<semaphore_mem>>)
      } else {
      }
      %mul3A_174 = arith.constant 2 : i32
      %mul3A_175 = arith.muli %mul3A_174, %scan3A_147 : i32
      %add3A_176 = arith.constant 1 : i32
      %add3A_177 = arith.addi %mul3A_175, %add3A_176 : i32
      %dma_wait3A_178 = arith.constant 0 : i32
      %dma_wait3A_179 = arith.constant 0 : i32
      %dma_wait3A_180 = tpu.memref_slice %arg2[%dma_wait3A_178, %dma_wait3A_179] : memref<2048x2048xf32, #tpu.memory_space<hbm>> -> memref<8x2048xf32, #tpu.memory_space<hbm>>
      %dma_wait3A_181 = arith.constant 0 : i32
      %dma_wait3A_182 = arith.constant 0 : i32
      %dma_wait3A_183 = tpu.memref_slice %arg2[%dma_wait3A_181, %dma_wait3A_182] : memref<2048x2048xf32, #tpu.memory_space<hbm>> -> memref<8x2048xf32, #tpu.memory_space<hbm>>
      tpu.wait_dma2 semaphore(%arg17 : memref<!tpu.dma_semaphore, #tpu.memory_space<semaphore_mem>>) src(%dma_wait3A_183 : memref<8x2048xf32, #tpu.memory_space<hbm>>) dst(%arg13 : memref<8x2048xf32, #tpu.memory_space<vmem>>)
      %ge3A_184 = arith.constant 1 : i32
      %ge3A_185 = arith.cmpi sge, %scan3A_147, %ge3A_184 : i32
      %convert_element_type3A_186 = arith.extui %ge3A_185 : i1 to i32
      %cond3A_187 = arith.constant 0 : i32
      %cond3A_188 = arith.cmpi ne, %convert_element_type3A_186, %cond3A_187 : i32
      scf.if %cond3A_188 {
        %dma_wait3A_204 = arith.constant 0 : i32
        %dma_wait3A_205 = arith.constant 0 : i32
        %dma_wait3A_206 = tpu.memref_slice %arg6[%dma_wait3A_204, %dma_wait3A_205] : memref<2048x2048xf32, #tpu.memory_space<hbm>> -> memref<8x2048xf32, #tpu.memory_space<hbm>>
        %dma_wait3A_207 = arith.constant 0 : i32
        %dma_wait3A_208 = arith.constant 0 : i32
        %dma_wait3A_209 = tpu.memref_slice %arg6[%dma_wait3A_207, %dma_wait3A_208] : memref<2048x2048xf32, #tpu.memory_space<hbm>> -> memref<8x2048xf32, #tpu.memory_space<hbm>>
        tpu.wait_dma2 semaphore(%arg19 : memref<!tpu.dma_semaphore, #tpu.memory_space<semaphore_mem>>) src(%arg15 : memref<8x2048xf32, #tpu.memory_space<vmem>>) dst(%dma_wait3A_209 : memref<8x2048xf32, #tpu.memory_space<hbm>>)
      } else {
      }
      %parallel_loop3A_189 = arith.constant 0 : i32
      %parallel_loop3A_190 = arith.constant 16384 : i32
      %parallel_loop3A_191 = arith.constant 16 : i32
      scf.for %parallel_loop3A_204 = %parallel_loop3A_189 to %parallel_loop3A_190 step %parallel_loop3A_191  : i32 {
        %parallel_loop3A_205 = arith.constant 11 : i32
        %parallel_loop3A_206 = arith.shrsi %parallel_loop3A_204, %parallel_loop3A_205 : i32
        %parallel_loop3A_207 = arith.constant 2047 : i32
        %parallel_loop3A_208 = arith.andi %parallel_loop3A_204, %parallel_loop3A_207 : i32
        %parallel_loop3A_209 = arith.index_cast %parallel_loop3A_206 : i32 to index
        %parallel_loop3A_210 = arith.index_cast %parallel_loop3A_208 : i32 to index
        %parallel_loop3A_211 = tpu.vector_load %arg13[%parallel_loop3A_209, %parallel_loop3A_210] {strides = array<i32>} : memref<8x2048xf32, #tpu.memory_space<vmem>>, vector<16xf32>,
        %parallel_loop3A_212 = arith.mulf %parallel_loop3A_211, %div3A_120 : vector<16xf32>
        %parallel_loop3A_213 = arith.addf %parallel_loop3A_212, %sub3A_125 : vector<16xf32>
        %parallel_loop3A_214 = arith.constant 0.000000e+00 : f32
        %parallel_loop3A_215 = vector.broadcast %parallel_loop3A_214 : f32 to vector<16xf32>
        %parallel_loop3A_216 = arith.maximumf %parallel_loop3A_213, %parallel_loop3A_215 : vector<16xf32>
        %parallel_loop3A_217 = arith.minimumf %parallel_loop3A_216, %add3A_130 : vector<16xf32>
        %parallel_loop3A_218 = arith.fptosi %parallel_loop3A_217 : vector<16xf32> to vector<16xi32>
        %parallel_loop3A_219 = tpu.vector_load_idx %arg10[%parallel_loop3A_218] : memref<16xf32, #tpu.memory_space<vmem>>[vector<16xi32>], vector<16xf32>,
        %parallel_loop3A_220 = tpu.vector_load_idx %arg11[%parallel_loop3A_218] : memref<16xf32, #tpu.memory_space<vmem>>[vector<16xi32>], vector<16xf32>,
        %parallel_loop3A_221 = arith.mulf %parallel_loop3A_220, %parallel_loop3A_211 : vector<16xf32>
        %parallel_loop3A_222 = arith.addf %parallel_loop3A_219, %parallel_loop3A_221 : vector<16xf32>
        %parallel_loop3A_223 = arith.index_cast %parallel_loop3A_206 : i32 to index
        %parallel_loop3A_224 = arith.index_cast %parallel_loop3A_208 : i32 to index
        %parallel_loop3A_225 = tpu.vector_load %arg15[%parallel_loop3A_223, %parallel_loop3A_224] {strides = array<i32>} : memref<8x2048xf32, #tpu.memory_space<vmem>>, vector<16xf32>,
        tpu.vector_store %arg15[%parallel_loop3A_223, %parallel_loop3A_224], %parallel_loop3A_222 {strides = array<i32>} : memref<8x2048xf32, #tpu.memory_space<vmem>>, vector<16xf32>,
      } {sc.loop_unroll_factor = 8 : i64, sc.parallel_access}
      %mul3A_192 = arith.constant 8 : i32
      %mul3A_193 = arith.muli %add3A_177, %mul3A_192 : i32
      %add3A_194 = arith.addi %mul3A_2, %mul3A_193 : i32
      %dma_start3A_195 = arith.constant 0 : i32
      %dma_start3A_196 = tpu.memref_slice %arg6[%add3A_194, %dma_start3A_195] : memref<2048x2048xf32, #tpu.memory_space<hbm>> -> memref<8x2048xf32, #tpu.memory_space<hbm>>
      %dma_start3A_197 = arith.constant 0 : i32
      %dma_start3A_198 = tpu.memref_slice %arg6[%add3A_194, %dma_start3A_197] : memref<2048x2048xf32, #tpu.memory_space<hbm>> -> memref<8x2048xf32, #tpu.memory_space<hbm>>
      tpu.enqueue_dma source(%arg15 : memref<8x2048xf32, #tpu.memory_space<vmem>>) target(%dma_start3A_198 : memref<8x2048xf32, #tpu.memory_space<hbm>>) target_semaphore(%arg19 : memref<!tpu.dma_semaphore, #tpu.memory_space<semaphore_mem>>)
      %lt3A_199 = arith.constant 3 : i32
      %lt3A_200 = arith.cmpi slt, %scan3A_147, %lt3A_199 : i32
      %convert_element_type3A_201 = arith.extui %lt3A_200 : i1 to i32
      %cond3A_202 = arith.constant 0 : i32
      %cond3A_203 = arith.cmpi ne, %convert_element_type3A_201, %cond3A_202 : i32
      scf.if %cond3A_203 {
        %add3A_204 = arith.constant 2 : i32
        %add3A_205 = arith.addi %add3A_177, %add3A_204 : i32
        %mul3A_206 = arith.constant 8 : i32
        %mul3A_207 = arith.muli %add3A_205, %mul3A_206 : i32
        %add3A_208 = arith.addi %mul3A_2, %mul3A_207 : i32
        %dma_start3A_209 = arith.constant 0 : i32
        %dma_start3A_210 = tpu.memref_slice %arg2[%add3A_208, %dma_start3A_209] : memref<2048x2048xf32, #tpu.memory_space<hbm>> -> memref<8x2048xf32, #tpu.memory_space<hbm>>
        %dma_start3A_211 = arith.constant 0 : i32
        %dma_start3A_212 = tpu.memref_slice %arg2[%add3A_208, %dma_start3A_211] : memref<2048x2048xf32, #tpu.memory_space<hbm>> -> memref<8x2048xf32, #tpu.memory_space<hbm>>
        tpu.enqueue_dma source(%dma_start3A_212 : memref<8x2048xf32, #tpu.memory_space<hbm>>) target(%arg13 : memref<8x2048xf32, #tpu.memory_space<vmem>>) target_semaphore(%arg17 : memref<!tpu.dma_semaphore, #tpu.memory_space<semaphore_mem>>)
      } else {
      }
    }
    %scan3A_135 = arith.constant 4 : i32
    %dma_wait3A = arith.constant 0 : i32
    %dma_wait3A_136 = arith.constant 0 : i32
    %dma_wait3A_137 = tpu.memref_slice %arg6[%dma_wait3A, %dma_wait3A_136] : memref<2048x2048xf32, #tpu.memory_space<hbm>> -> memref<8x2048xf32, #tpu.memory_space<hbm>>
    %dma_wait3A_138 = arith.constant 0 : i32
    %dma_wait3A_139 = arith.constant 0 : i32
    %dma_wait3A_140 = tpu.memref_slice %arg6[%dma_wait3A_138, %dma_wait3A_139] : memref<2048x2048xf32, #tpu.memory_space<hbm>> -> memref<8x2048xf32, #tpu.memory_space<hbm>>
    tpu.wait_dma2 semaphore(%arg18 : memref<!tpu.dma_semaphore, #tpu.memory_space<semaphore_mem>>) src(%arg14 : memref<8x2048xf32, #tpu.memory_space<vmem>>) dst(%dma_wait3A_140 : memref<8x2048xf32, #tpu.memory_space<hbm>>)
    %dma_wait3A_141 = arith.constant 0 : i32
    %dma_wait3A_142 = arith.constant 0 : i32
    %dma_wait3A_143 = tpu.memref_slice %arg6[%dma_wait3A_141, %dma_wait3A_142] : memref<2048x2048xf32, #tpu.memory_space<hbm>> -> memref<8x2048xf32, #tpu.memory_space<hbm>>
    %dma_wait3A_144 = arith.constant 0 : i32
    %dma_wait3A_145 = arith.constant 0 : i32
    %dma_wait3A_146 = tpu.memref_slice %arg6[%dma_wait3A_144, %dma_wait3A_145] : memref<2048x2048xf32, #tpu.memory_space<hbm>> -> memref<8x2048xf32, #tpu.memory_space<hbm>>
    tpu.wait_dma2 semaphore(%arg19 : memref<!tpu.dma_semaphore, #tpu.memory_space<semaphore_mem>>) src(%arg15 : memref<8x2048xf32, #tpu.memory_space<vmem>>) dst(%dma_wait3A_146 : memref<8x2048xf32, #tpu.memory_space<hbm>>)
    return
  }
}

</mosaic_0001>

<sc_bundles>
// kernel: _piecewise.3.cloned.1.call-start
scs
__scs_entry_jumppad:
0x0: {  	(pc) =	sbr.rel $0x88, $3  }
0x1: {  	(tag) =	ssettag $0x0;
	lr =	simm.s32 $0x1  }
0x2: {  	[smem:$0x3F9D] =	sst lr;
	_ =	strace $0xD0000000  }
0x3: {  	_ = 	snop  }
0x4: {  	_ = 	snop  }
0x5: {  	_ = 	snop  }
0x6: {  	_ = 	snop  }
0x7: {  	_ = 	snop  }
__scs_overlays_trampoline_lowered:
0x8: {  	[smem:$0x3FAC] =	sst s0  }
0x9: {  	[smem:$0x3FAD] =	sst s1  }
0xa: {  	[smem:$0x3FAE] =	sst s2  }
0xb: {  	[smem:$0x3FAF] =	sst s3  }
0xc: {  	[smem:$0x3FB0] =	sst s4  }
0xd: {  	[smem:$0x3FB1] =	sst s5  }
0xe: {  	[smem:$0x3FB2] =	sst s6  }
0xf: {  	[smem:$0x3FB3] =	sst s7  }
0x10: {  	[smem:$0x3FB4] =	sst s8  }
0x11: {  	[smem:$0x3FB5] =	sst s9;
	s0 =	simm.s32 @!p0 $0x0  }
0x12: {  	s1 =	sld [smem:$0x3F9B];
	s0 =	simm.s32 @p0 $0x1  }
0x13: {  	[smem:$0x3FB6] =	sst s0;
	s0 =	simm.s32 @!p1 $0x0  }
0x14: {  	s2 =	sld [smem:$0x3F9A];
	s0 =	simm.s32 @p1 $0x1  }
0x15: {  	[smem:$0x3FB7] =	sst s0;
	s0 =	simm.s32 @!p2 $0x0  }
0x16: {  	s3 =	sld [smem:$0x3FDB];
	s0 =	simm.s32 @p2 $0x1  }
0x17: {  	s4 =	simm.s32 $0x1BF5;
	[smem:$0x3FB9] =	sst s0  }
0x18: {  	s0 =	sld [smem:$0x3F9C];
	_ =	swait.ge [sflag:s4], $0x0  }
0x19: {  	s7 =	sld [smem:$0x3F9D]  }
0x1a: {  	s8 =	sadd.s32 $0xFFFFE003, lr  }
0x1b: {  	s9 =	sadd.s32 $0xFFFFFEF7, lr;
	s5 =	simm.s32 $0xFFFFFFFF;
	p2 =	slt.u32 s8, $0xFFFFF086  }
0x1c: {  	p1 =	slt.u32 s9, $0xF7A;
	s5 =	simm.s32 @!p2 $0x0  }
0x1d: {  	s5 =	simm.s32 @p1 $0x1;
	p0 =	seq.s32 s7, s2  }
0x1e: {  	s7 =	smul.u32 @!p0 $0xF7A, s2;
	p2 =	seq.s32 @!p0 s5, $0x0  }
0x1f: {  	s9 =	smul.u32 $0xF7A, s1;
	s8 =	simm.s32 @!p0 $0x1BF5;
	p2 =	por !p2, p0  }
0x20: {  	[sflag:s8] =	ssyncset.s32 @!p0 $0xFFFFF086;
	s6 =	sadd.s32 @!p0 s3, s7;
	s7 =	simm.s32 @!p0 $0x108  }
0x21: {  	s3 =	sadd.s32 s3, s9;
	s6 =	sadd.s32 @!p0 $0x88, s6;
	s7 =	simm.s32 @p2 $0x1082  }
0x22: {  	[simem:s7], [sflag:s8] =	dma.local @!p0 [hbm:s6], $0xF7A  }
0x23: {  	s9 =	sor.u32 $0xD0000000, s2;
	s6 =	simm.s32 $0x108;
	_ =	swait.ge @!p0 [sflag:s8], $0x0  }
0x24: {  	s3 =	sadd.s32 $0x88, s3;
	s6 =	simm.s32 @!p1 $0x1082;
	[sflag:s4] =	ssyncset.s32 $0xFFFFF086  }
0x25: {  	[simem:s6], [sflag:s4] =	dma.local [hbm:s3], $0xF7A  }
0x26: {  	[smem:$0x3F9D] =	sst s1;
	(tag) =	ssettag s2;
	_ =	strace s9  }
0x27: {  	s1 =	sld [smem:$0x3FAD]  }
0x28: {  	s2 =	sld [smem:$0x3FAE]  }
0x29: {  	s4 =	sld [smem:$0x3FB0]  }
0x2a: {  	p0 =	seq.s32 s5, $0x0;
	s5 =	sld [smem:$0x3FB1]  }
0x2b: {  	s6 =	sld [smem:$0x3FB2]  }
0x2c: {  	s7 =	sld [smem:$0x3FB3]  }
0x2d: {  	s3 =	simm.s32 $0x108;
	s8 =	sld [smem:$0x3FB4]  }
0x2e: {  	s3 =	simm.s32 @!p0 $0x1082;
	s9 =	sld [smem:$0x3FB5]  }
0x2f: {  	lr =	sadd.s32 s0, s3;
	s0 =	sld [smem:$0x3FAC]  }
0x30: {  	s3 =	sld [smem:$0x3FAF]  }
0x31: {  	[smem:$0x3FB8] =	sst s10  }
0x32: {  	s10 =	sld [smem:$0x3FB6];
	_ =	sdelay $0x3  }
0x33: {  	p0 =	seq.s32 s10, $0x1;
	s10 =	sld [smem:$0x3FB8];
	_ =	sdelay $0x3  }
0x34: {  	[smem:$0x3FB8] =	sst s10  }
0x35: {  	s10 =	sld [smem:$0x3FB7];
	_ =	sdelay $0x3  }
0x36: {  	p1 =	seq.s32 s10, $0x1;
	s10 =	sld [smem:$0x3FB8];
	_ =	sdelay $0x3  }
0x37: {  	[smem:$0x3FB8] =	sst s10  }
0x38: {  	s10 =	sld [smem:$0x3FB9]  }
0x39: {  	_ = 	snop;
	(pc) =	sbr.ind lr, $3  }
0x3a: {  	_ = 	snop  }
0x3b: {  	_ = 	snop  }
0x3c: {  	p2 =	seq.s32 s10, $0x1;
	s10 =	sld [smem:$0x3FB8]  }
0x3d: {  	_ =	shalt  }
0x3e: {  	_ =	shalt  }
0x3f: {  	_ =	shalt  }
0x40: {  	_ =	shalt  }
0x41: {  	_ =	shalt  }
0x42: {  	_ =	shalt  }
0x43: {  	_ =	shalt  }
0x44: {  	_ =	shalt  }
0x45: {  	_ =	shalt  }
0x46: {  	_ =	shalt  }
0x47: {  	_ =	shalt  }
0x48: {  	_ =	shalt  }
0x49: {  	_ =	shalt  }
0x4a: {  	_ =	shalt  }
0x4b: {  	_ =	shalt  }
0x4c: {  	_ =	shalt  }
0x4d: {  	_ =	shalt  }
0x4e: {  	_ =	shalt  }
0x4f: {  	_ =	shalt  }
0x50: {  	_ =	shalt  }
0x51: {  	_ =	shalt  }
0x52: {  	_ =	shalt  }
0x53: {  	_ =	shalt  }
0x54: {  	_ =	shalt  }
0x55: {  	_ =	shalt  }
0x56: {  	_ =	shalt  }
0x57: {  	_ =	shalt  }
0x58: {  	_ =	shalt  }
0x59: {  	_ =	shalt  }
0x5a: {  	_ =	shalt  }
0x5b: {  	_ =	shalt  }
0x5c: {  	_ =	shalt  }
0x5d: {  	_ =	shalt  }
0x5e: {  	_ =	shalt  }
0x5f: {  	_ =	shalt  }
0x60: {  	_ =	shalt  }
0x61: {  	_ =	shalt  }
0x62: {  	_ =	shalt  }
0x63: {  	_ =	shalt  }
0x64: {  	_ =	shalt  }
0x65: {  	_ =	shalt  }
0x66: {  	_ =	shalt  }
0x67: {  	_ =	shalt  }
0x68: {  	_ =	shalt  }
0x69: {  	_ =	shalt  }
0x6a: {  	_ =	shalt  }
0x6b: {  	_ =	shalt  }
0x6c: {  	_ =	shalt  }
0x6d: {  	_ =	shalt  }
0x6e: {  	_ =	shalt  }
0x6f: {  	_ =	shalt  }
0x70: {  	_ =	shalt  }
0x71: {  	_ =	shalt  }
0x72: {  	_ =	shalt  }
0x73: {  	_ =	shalt  }
0x74: {  	_ =	shalt  }
0x75: {  	_ =	shalt  }
0x76: {  	_ =	shalt  }
0x77: {  	_ =	shalt  }
0x78: {  	_ =	shalt  }
0x79: {  	_ =	shalt  }
0x7a: {  	_ =	shalt  }
0x7b: {  	_ =	shalt  }
0x7c: {  	_ =	shalt  }
0x7d: {  	_ =	shalt  }
0x7e: {  	_ =	shalt  }
0x7f: {  	_ =	shalt  }
0x80: {  	_ =	shalt  }
0x81: {  	_ =	shalt  }
0x82: {  	_ =	shalt  }
0x83: {  	_ =	shalt  }
0x84: {  	_ =	shalt  }
0x85: {  	_ =	shalt  }
0x86: {  	_ =	shalt  }
0x87: {  	_ =	shalt  }
.Lfunc_end0:
.L_simem_size_0:
called_computation_lowered:
.L_overlay_start_0:
0x88: {  	s2 =	sld [smem:$0x3FD9]  }
0x89: {  	s3 =	sld [smem:$0x3FFE];
	_ =	sdelay $0x1  }
0x8a: {  	s1 =	srdreg.scid  }
0x8b: {  	s0 =	sand.u32 $0x1, s1  }
0x8c: {  	s18 =	sshll.u32 s0, $0xA;
	s2 =	sadd.s32 s3, s2  }
0x8d: {  	s2 =	sadd.s32 s2, s18  }
0x8e: {  	[smem:$0x3FC4] =	sst s2  }
0x8f: {  	_ = 	snop  }
0x90: {  	s2 =	sld [smem:$0x3FC9]  }
0x91: {  	s19 =	sld [smem:$0x3FC8]  }
0x92: {  	s4 =	sld [smem:$0x3FC7]  }
0x93: {  	s5 =	sld [smem:$0x3FC6]  }
0x94: {  	s6 =	sld [smem:$0x3FD0];
	(tm) =	ssettm $0x1  }
0x95: {  	s7 =	sld [smem:$0x3FFB];
	_ =	sdelay $0x3  }
0x96: {  	_ =	strace s7  }
0x97: {  	s7 =	sld [smem:$0x3FFC];
	_ =	sdelay $0x3  }
0x98: {  	_ =	strace s7  }
0x99: {  	s7 =	sld [smem:$0x3FFD];
	_ =	sdelay $0x3  }
0x9a: {  	_ =	strace s7  }
0x9b: {  	_ =	strace $0x8FFFFFFF  }
0x9c: {  	s20 =	sld [smem:$0x3FDB];
	_ =	sdelay $0x1  }
0x9d: {  	s8 =	simm.s32 $_scs_section_size  }
0x9e: {  	s9 =	simm.s32 $_size__tile_overlayer_lowered;
	s10 =	simm.s32 $_tile_overlayer_lowered  }
0x9f: {  	s23 =	simm.s32 $0x1BFF;
	s22 =	sshll.u32 s10, $0x1;
	s7 =	sadd.s32 s8, s20  }
0xa0: {  	s11 =	simm.s32 $0x0;
	s21 =	sshll.u32 s9, $0x1;
	s9 =	sadd.s32 s22, s7  }
0xa1: {  	[timem:s11], [sflag:s23] =	dma.local [hbm:s9], s21  }
0xa2: {  	_ =	swait.ge [sflag:s23], s21  }
0xa3: {  	s8 =	ssub.s32 $0x0, s21;
	[sflag:s23] =	ssyncset.done $0x0  }
0xa4: {  	[sflag:s23] =	ssyncadd.s32 s8;
	_ =	sdelay $0x1  }
0xa5: {  	s24 =	simm.s32 $0x1B8B  }
0xa6: {  	_ =	swait.ge [sflag:s24], $0x1  }
0xa7: {  	[sflag:s24] =	ssyncset.done $0x0  }
0xa8: {  	s25 =	simm.s32 $0x1B8E;
	[sflag:s24] =	ssyncadd.s32 $0xFFFFFFFF  }
0xa9: {  	s26 =	simm.s32 $execute0_lowered;
	[smem:$0x3FD2] =	sst s25  }
0xaa: {  	s8 =	sshll.u32 s26, $0x1;
	_ =	strace $0x80000046;
	[dreg:$0x1] =	wrdreg $0xFFFFFFFF  }
0xab: {  	s28 =	simm.s32 $_size_execute0_lowered;
	s7 =	sadd.s32 s7, s8;
	[dreg:$0x0] =	wrdreg $0x0  }
0xac: {  	s8 =	sshll.u32 s28, $0x1;
	[dreg:$0x2] =	wrdreg s7  }
0xad: {  	[dreg:$0x3] =	wrdreg s8  }
0xae: {  	[dreg:$0x4] =	wrdreg $0xC0  }
0xaf: {  	_ =	task [dreg:s11], $0x5FFFF  }
0xb0: {  	[dreg:$0x1] =	wrdreg $0xFFFFFFFF  }
0xb1: {  	[dreg:$0x0] =	wrdreg $0x60  }
0xb2: {  	[dreg:$0x2] =	wrdreg s2  }
0xb3: {  	[dreg:$0x3] =	wrdreg s19  }
0xb4: {  	[dreg:$0x4] =	wrdreg s4  }
0xb5: {  	[dreg:$0x5] =	wrdreg s5  }
0xb6: {  	[dreg:$0x6] =	wrdreg s6  }
0xb7: {  	[dreg:$0x7] =	wrdreg $0x9  }
0xb8: {  	_ =	task.clear_ibuf [dreg:s11], $0x8FFFF;
	_ =	strace $0x90000046  }
0xb9: {  	s29 =	simm.s32 $0x9;
	_ =	strace $0x80000048  }
0xba: {  	_ =	swait.ge [sflag:s29], $0x1  }
0xbb: {  	[sflag:s29] =	ssyncadd.s32 $0xFFFFFFFF  }
0xbc: {  	_ =	strace $0x90000048  }
0xbd: {  	_ =	sfence  }
0xbe: {  	s30 =	sld [smem:$0x0];
	_ =	sdelay $0x2  }
0xbf: {  	s31 =	sshll.u32 s1, $0xD;
	s1 =	sshrl.u32 s1, $0x2  }
0xc0: {  	s3 =	sand.u32 $0x4000, s31;
	s1 =	sadd.s32 s1, s30  }
0xc1: {  	s0 =	sor.u32 s3, s0;
	s1 =	sshll.u32 s1, $0x11  }
0xc2: {  	s0 =	sor.u32 s1, s0  }
0xc3: {  	s0 =	sadd.s32 $0x8F2B, s0  }
0xc4: {  	[sflag:s0] =	ssyncadd.remote.s32 $0x1  }
0xc5: {  	_ =	sfence.sel $0xFFFF  }
0xc6: {  	[dreg:$0x0] =	wrdreg $0xFFFFFFFF;
	(pc) =	sbr.abs _section_cstart, $3  }
0xc7: {  	[dreg:$0x1] =	wrdreg $0xFFFFFFFF  }
0xc8: {  	_ =	task.clear_ibuf [dreg:s11], $0x2FFFF;
	_ =	strace $0x9FFFFFFF  }
0xc9: {  	(tm) =	ssettm $0x7FFFFFFF  }
tec
execute0_lowered:
.L_overlay_start_1:
0x0: {  	(tag) =	ssettag $0x1  }
0x1: {  	s0 =	rddreg [dreg:$0x0]  }
0x2: {  	s1 =	srdreg.scid;
	s2 =	stileid.u32  }
0x3: {  	s6 =	rddreg [dreg:$0x4];
	s8 =	simm.s32 $0x0;
	s15 =	simm.s32 $0x280  }
0x4: {  	s16 =	simm.s32 $0x4280;
	s17 =	simm.s32 $0x5;
	s18 =	simm.s32 $0x80  }
0x5: {  	s20 =	simm.s32 $0x1;
	s21 =	simm.s32 $0x180;
	s22 =	simm.s32 $0x200  }
0x6: {  	v0 =	vimm.s32 $0x76543211;
	v1 =	vimm.s32 $0x65432100;
	s23 =	simm.s32 $0x8280;
	s24 =	simm.s32 $0x2;
	s25 =	simm.s32 $0x4  }
0x7: {  	s26 =	simm.s32 $0xC280;
	s28 =	simm.s32 $0x3;
	s1 =	sand.u32 $0x1, s1;
	v0 =	vunpack.c.l.s4.s8 v0;
	v1 =	vunpack.c.l.s4.s8 v1  }
0x8: {  	s29 =	simm.s32 $0x0;
	s2 =	sshll.u32 s2, $0x7;
	s3 =	sshll.u32 s1, $0x6  }
.Ltmp0:
0x9: {  	s1 =	ssub.s32 $0x2, s1;
	s7 =	sor.u32 s3, s2;
	v0 =	vunpack.c.0.s8.s32 v0;
	v1 =	vunpack.c.0.s8.s32 v1;
	(pc) =	sbr.rel .LBB2_1-.Ltmp0, $4  }
0xa: {  	vm0 =	vcmask $0x1F00;
	vm1 =	vcmask $0x2320;
	[smem:$0x7FF] =	sst s8;
	s30 =	sshrl.u32 s1, $0x1;
	s2 =	sshll.u32 s7, $0x8  }
0xb: {  	vm2 =	vcmask $0x2328;
	_ =	strace $0x80000047;
	s1 =	ssub.s32 s1, s30;
	s9 =	sadd.s32 s0, s2;
	v0 =	vand.u32 $0xF, v0;
	v1 =	vnsel vm0, $0x8, v1  }
0xc: {  	vm3 =	vmmov $0x3ff;
	s12 =	sor.u32 $0x10, s7;
	s13 =	sor.u32 $0x18, s7;
	s31 =	sadd.s32 $0x800, s9;
	v2 =	vnsel vm0, $0x9, v0;
	v0 =	vsel vm1, $0x7, v1  }
0xd: {  	s11 =	sadd.s32 s6, s2;
	s14 =	smax.u32 s1, $0x1;
	vm0 =	vmmov $0x1;
	[dreg:$0x6] =	wrdreg s31;
	v1 =	vsel vm1, $0x8, v2;
	vm1 =	vcmask $0x308  }
.LBB2_12:
0xe: {  	s29 =	sadd.s32 $0x1, s29  }
0xf: {  	_ =	swait.ge [sflag:s28], $0x4000;
	p0 =	sne.s32 s29, s14  }
.Ltmp1:
0x10: {  	[sflag:s28] =	ssyncset.done $0x0;
	(pc) =	sbr.rel @!p0 .LBB2_13-.Ltmp1, $4  }
0x11: {  	[sflag:s28] =	ssyncadd.s32 $0xFFFFC000  }
0x12: {  	_ =	swait.ge [sflag:s25], $0x4000  }
0x13: {  	[sflag:s25] =	ssyncset.done $0x0  }
0x14: {  	[sflag:s25] =	ssyncadd.s32 $0xFFFFC000  }
.LBB2_1:
0x15: {  	[tilespmem:s15], [sflag:$0x1] =	stream.linear.gather [hbm4b:s9+s8], $0x4000, $0x38;
	[tilespmem:$0x10280] =	vst v63  }
0x16: {  	s1 =	rddreg [dreg:$0x6]  }
0x17: {  	[tilespmem:s16], [sflag:$0x2] =	stream.linear.gather [hbm4b:s1+s8], $0x4000, $0x38;
	[tilespmem:$0x10280] =	vst v63  }
0x18: {  	s3 =	rddreg [dreg:$0x1]  }
0x19: {  	[tilespmem:s8], [sflag:$0x5] =	stream.linear.gather [hbm4b:s3+s8], $0xA, $0x38;
	[tilespmem:$0x10280] =	vst v63  }
0x1a: {  	_ =	swait.ge [sflag:s17], $0xA  }
0x1b: {  	[sflag:s17] =	ssyncset.done $0x0  }
0x1c: {  	[sflag:s17] =	ssyncadd.s32 $0xFFFFFFF6  }
0x1d: {  	s4 =	rddreg [dreg:$0x2]  }
0x1e: {  	[tilespmem:s18], [sflag:$0x5] =	stream.linear.gather [hbm4b:s4+s8], $0xA, $0x38;
	[tilespmem:$0x10280] =	vst v63  }
0x1f: {  	_ =	swait.ge [sflag:s17], $0xA  }
0x20: {  	[sflag:s17] =	ssyncset.done $0x0  }
0x21: {  	[sflag:s17] =	ssyncadd.s32 $0xFFFFFFF6  }
0x22: {  	s2 =	simm.s32 $0x100;
	s5 =	rddreg [dreg:$0x3]  }
0x23: {  	[tilespmem:s2], [sflag:$0x5] =	stream.linear.gather [hbm4b:s5+s8], $0x2, $0x38;
	[tilespmem:$0x10280] =	vst v63  }
0x24: {  	_ =	swait.ge [sflag:s17], $0x2  }
0x25: {  	[sflag:s17] =	ssyncset.done $0x0  }
0x26: {  	[sflag:s17] =	ssyncadd.s32 $0xFFFFFFFE  }
0x27: {  	v2 =	vld [tilespmem:$0x100];
	_ =	sdelay $0x1  }
0x28: {  	v3 =	vld [tilespmem:$0x0]  }
0x29: {  	v4 =	vld [tilespmem:$0x80];
	_ =	sdelay $0x1  }
0x2a: {  	v5 =	vnsel vm0, $0x0, v2  }
0x2b: {  	v2 =	vsel vm1, $0x0, v2;
	(xrf2) =	vadd.scan.msk.f32 $0xffff, v5  }
0x2c: {  	(xrf2) =	vadd.scan.msk.f32 $0xffff, v2;
	v2 =	vnsel vm0, $0x0, v3  }
0x2d: {  	(xrf2) =	vadd.scan.msk.f32 $0xffff, v2;
	v2 =	vnsel vm0, $0x0, v4  }
0x2e: {  	(xrf2) =	vadd.scan.msk.f32 $0xffff, v2;
	v2 =	vsel vm2, $0x0, v3  }
0x2f: {  	(xrf2) =	vadd.scan.msk.f32 $0xffff, v2;
	_ =	sdelay $0x5  }
0x30: {  	v2, _, _ =	vpop (xrf2)  }
0x31: {  	v3, _, _ =	vpop (xrf2);
	(v2sf) =	vpush v2, $0xF  }
0x32: {  	v5, _, _ =	vpop (xrf2);
	(v2sf) =	vpush v3, $0xF  }
0x33: {  	v6, _, _ =	vpop (xrf2);
	(v2sf) =	vpush v5, $0xF  }
0x34: {  	(v2sf) =	vpush v6, $0xF;
	v56, _, _ =	vpop (xrf2)  }
0x35: {  	(v2sf) =	vpush v56, $0xF  }
0x36: {  	v4 =	vsel vm2, $0x0, v4  }
0x37: {  	(xrf2) =	vadd.scan.msk.f32 $0xffff, v4;
	_ =	sdelay $0x8  }
0x38: {  	v57 =	vld.idx.msk [tilespmem:v1+s8+$0x0], $0xffff;
	s1 =	spop (v2sf)  }
0x39: {  	v4 =	vld.idx.msk [tilespmem:v0+s8+$0x0], $0xffff;
	v7, _, _ =	vpop (xrf2);
	s10 =	spop (v2sf)  }
0x3a: {  	(v2sf) =	vpush v7, $0xF;
	s3 =	spop (v2sf)  }
0x3b: {  	s4 =	spop (v2sf)  }
0x3c: {  	s5 =	spop (v2sf)  }
0x3d: {  	s19 =	ssub.f32 s5, s3  }
0x3e: {  	v6 =	vsub.f32 v57, v4  }
0x3f: {  	v58 =	vmov s19  }
0x40: {  	(erf) = vrcp.f32 v6;
	v6 =	vadd.f32 $0.0e+00, v58;
	_ =	sdelay $0x1  }
0x41: {  	v59 =	vld.idx.msk [tilespmem:v0+s18+$0x0], $0xffff;
	v6 =	vbroadcast v6, $0x0  }
0x42: {  	v8 =	vld.idx.msk [tilespmem:v1+s18+$0x0], $0xffff  }
0x43: {  	(erf) = vrcp.f32 v6;
	_ =	sdelay $0x1  }
0x44: {  	s1 =	smul.f32 s1, s3;
	_ =	sdelay $0x1  }
0x45: {  	v60 =	vsub.f32 v8, v59;
	v2 =	vadd.f32 $0.0e+00, v2;
	s2 =	smul.f32 s10, s5;
	s1 =	ssub.f32 s4, s1  }
0x46: {  	v61 =	vpop (erf);
	s31 =	spop (v2sf)  }
0x47: {  	v63 =	vbroadcast v2, $0xF;
	v2 =	vmov s1;
	v6 =	vmul.f32 v60, v61;
	s2 =	ssub.f32 s31, s2;
	_ =	sdelay $0x1  }
0x48: {  	v3 =	vadd.f32 $0.0e+00, v3;
	v4 =	vmul.f32 v6, v4;
	v62 =	vmov s2  }
0x49: {  	v5 =	vbroadcast v5, $0xF;
	v9 =	vadd.f32 $0.0e+00, v2;
	v8 =	vadd.f32 $0.0e+00, v62;
	v2 =	vpop (erf)  }
0x4a: {  	v3 =	vbroadcast v3, $0xF;
	v4 =	vsub.f32 v59, v4;
	v2 =	vmul.f32 $9.000000000e+00, v2  }
0x4b: {  	v6 =	vsel vm0, v63, v6;
	v8 =	vbroadcast v8, $0x0  }
0x4c: {  	v3 =	vsel vm3, v6, v3;
	v4 =	vsel vm0, v9, v4;
	v5 =	vmul.f32 v2, v5  }
0x4d: {  	[tilespmem:$0x200] =	vst v3;
	v4 =	vsel vm3, v4, v8  }
0x4e: {  	s30 =	simm.s32 $0x0;
	[tilespmem:$0x180] =	vst v4;
	v3 =	vsub.f32 $1.000000000e+00, v5  }
.LBB2_2:
0x4f: {  	_ =	swait.ge [sflag:s20], $0x4000  }
0x50: {  	p0 =	seq.s32 s30, $0x0;
	[sflag:s20] =	ssyncset.done $0x0  }
0x51: {  	s1 =	simm.s32 @!p0 $0x3;
	[sflag:s20] =	ssyncadd.s32 $0xFFFFC000  }
0x52: {  	s2 =	simm.s32 $0x0;
	_ =	swait.ge @!p0 [sflag:s1], $0x4000  }
0x53: {  	s3 =	sand.u32 $0x3C00, s2;
	s2 =	sand.u32 $0x380, s2;
	[sflag:s1] =	ssyncset.done @!p0 $0x0  }
0x54: {  	s4 =	sor.u32 s2, s3;
	[sflag:s1] =	ssyncadd.s32 @!p0 $0xFFFFC000  }
0x55: {  	v10 =	vld [tilespmem:s4+$0x2F0]  }
0x56: {  	v5 =	vld [tilespmem:s4+$0x280]  }
0x57: {  	v4 =	vld [tilespmem:s4+$0x290]  }
0x58: {  	v6 =	vld [tilespmem:s4+$0x2A0]  }
0x59: {  	v13 =	vld [tilespmem:s4+$0x2B0]  }
0x5a: {  	v17 =	vld [tilespmem:s4+$0x2C0]  }
0x5b: {  	v16 =	vld [tilespmem:s4+$0x2D0]  }
0x5c: {  	v18 =	vld [tilespmem:s4+$0x2E0]  }
0x5d: {  	v7 =	vmul.f32 v10, v2;
	v8 =	vmul.f32 v5, v2  }
0x5e: {  	v9 =	vmul.f32 v4, v2;
	v11 =	vmul.f32 v6, v2  }
0x5f: {  	v12 =	vmul.f32 v13, v2;
	v14 =	vmul.f32 v17, v2  }
0x60: {  	v15 =	vmul.f32 v16, v2;
	v7 =	vadd.f32 v7, v3;
	v8 =	vadd.f32 v8, v3  }
0x61: {  	v19 =	vmul.f32 v18, v2;
	v9 =	vadd.f32 v9, v3;
	v11 =	vadd.f32 v11, v3  }
0x62: {  	s10 =	simm.s32 $0x8;
	s19 =	simm.s32 $0x400;
	v12 =	vadd.f32 v12, v3;
	v14 =	vadd.f32 v14, v3;
	v7 =	vmax.f32 v7, $0.0e+00  }
0x63: {  	s2 =	sand.u32 $0x3C00, s19;
	s1 =	sand.u32 $0x380, s10;
	v15 =	vadd.f32 v15, v3;
	v19 =	vadd.f32 v19, v3;
	v7 =	vmin.f32 v7, $1.000000000e+01  }
0x64: {  	s1 =	sor.u32 s1, s2;
	v8 =	vmax.f32 v8, $0.0e+00;
	v9 =	vmax.f32 v9, $0.0e+00;
	v7 =	vtrunc.f32 v7  }
0x65: {  	v11 =	vmax.f32 v11, $0.0e+00;
	v20 =	vmax.f32 v15, $0.0e+00;
	v15 =	vld [tilespmem:s1+$0x2F0];
	v7 =	vcvt.f32.s32 v7  }
0x66: {  	v12 =	vmax.f32 v12, $0.0e+00;
	v14 =	vmax.f32 v14, $0.0e+00;
	v9 =	vmin.f32 v9, $1.000000000e+01  }
0x67: {  	v11 =	vmin.f32 v11, $1.000000000e+01;
	v23 =	vtrunc.f32 v9;
	v9 =	vmin.f32 v14, $1.000000000e+01  }
0x68: {  	v11 =	vtrunc.f32 v11;
	v14 =	vmin.f32 v20, $1.000000000e+01;
	v20 =	vtrunc.f32 v9;
	v9 =	vld [tilespmem:s1+$0x290]  }
0x69: {  	v19 =	vmax.f32 v19, $0.0e+00;
	v24 =	vtrunc.f32 v14;
	v32 =	vcvt.f32.s32 v11;
	v14 =	vld [tilespmem:s1+$0x2B0]  }
0x6a: {  	v19 =	vmin.f32 v19, $1.000000000e+01;
	v11 =	vld [tilespmem:s1+$0x2E0];
	v42 =	vcvt.f32.s32 v20;
	v25 =	vmul.f32 v15, v2  }
0x6b: {  	v8 =	vmin.f32 v8, $1.000000000e+01;
	v29 =	vcvt.f32.s32 v23;
	v23 =	vtrunc.f32 v19;
	v21 =	vld.idx.msk [tilespmem:v7+s22+$0x0], $0xffff  }
0x6c: {  	v19 =	vcvt.f32.s32 v24;
	v20 =	vcvt.f32.s32 v23;
	v25 =	vadd.f32 v25, v3;
	v22 =	vld.idx.msk [tilespmem:v7+s21+$0x0], $0xffff  }
0x6d: {  	v23 =	vmul.f32 v9, v2;
	v7 =	vmin.f32 v12, $1.000000000e+01;
	v12 =	vtrunc.f32 v8;
	v8 =	vld [tilespmem:s1+$0x280]  }
0x6e: {  	v26 =	vmul.f32 v14, v2;
	v27 =	vcvt.f32.s32 v12;
	v12 =	vld [tilespmem:s1+$0x2A0]  }
0x6f: {  	v25 =	vmax.f32 v25, $0.0e+00;
	v30 =	vadd.f32 v23, v3;
	v23 =	vld.idx.msk [tilespmem:v32+s22+$0x0], $0xffff  }
0x70: {  	v7 =	vtrunc.f32 v7;
	v25 =	vmin.f32 v25, $1.000000000e+01;
	v35 =	vadd.f32 v26, v3;
	v26 =	vld.idx.msk [tilespmem:v42+s22+$0x0], $0xffff  }
0x71: {  	v33 =	vcvt.f32.s32 v7;
	v7 =	vld [tilespmem:s1+$0x2C0];
	v25 =	vtrunc.f32 v25  }
0x72: {  	v37 =	vmul.f32 v11, v2;
	v43 =	vcvt.f32.s32 v25;
	v25 =	vld.idx.msk [tilespmem:v19+s22+$0x0], $0xffff  }
0x73: {  	v30 =	vmax.f32 v30, $0.0e+00;
	v21 =	vmul.f32 v21, v10;
	v10 =	vld [tilespmem:s1+$0x2D0]  }
0x74: {  	v37 =	vadd.f32 v37, v3;
	v61 =	vmin.f32 v30, $1.000000000e+01;
	v30 =	vld.idx.msk [tilespmem:v29+s21+$0x0], $0xffff;
	v24 =	vmul.f32 v8, v2  }
0x75: {  	v35 =	vmax.f32 v35, $0.0e+00;
	v41 =	vadd.f32 v21, v22;
	v21 =	vld.idx.msk [tilespmem:v27+s22+$0x0], $0xffff  }
0x76: {  	v44 =	vmax.f32 v37, $0.0e+00;
	v28 =	vadd.f32 v24, v3;
	v24 =	vmul.f32 v12, v2;
	v22 =	vld.idx.msk [tilespmem:v29+s22+$0x0], $0xffff  }
0x77: {  	v35 =	vmin.f32 v35, $1.000000000e+01;
	v63 =	vmin.f32 v44, $1.000000000e+01;
	v34 =	vmul.f32 v7, v2;
	v29 =	vld.idx.msk [tilespmem:v32+s21+$0x0], $0xffff  }
0x78: {  	v37 =	vtrunc.f32 v35;
	v32 =	vld.idx.msk [tilespmem:v33+s21+$0x0], $0xffff;
	v31 =	vadd.f32 v24, v3;
	v36 =	vmul.f32 v10, v2  }
0x79: {  	v24 =	vld.idx.msk [tilespmem:v33+s22+$0x0], $0xffff;
	v34 =	vadd.f32 v34, v3;
	v38 =	vmax.f32 v28, $0.0e+00;
	[tilespmem:s4+$0x82F0] =	vst v41;
	v41 =	vtrunc.f32 v63  }
0x7a: {  	v28 =	vld.idx.msk [tilespmem:v20+s22+$0x0], $0xffff;
	v38 =	vmin.f32 v38, $1.000000000e+01;
	v39 =	vmax.f32 v31, $0.0e+00;
	v36 =	vadd.f32 v36, v3  }
0x7b: {  	v31 =	vld.idx.msk [tilespmem:v27+s21+$0x0], $0xffff;
	v27 =	vmax.f32 v34, $0.0e+00;
	v45 =	vtrunc.f32 v38;
	v39 =	vmin.f32 v39, $1.000000000e+01  }
0x7c: {  	v34 =	vld.idx.msk [tilespmem:v43+s22+$0x0], $0xffff;
	v27 =	vmin.f32 v27, $1.000000000e+01;
	v39 =	vtrunc.f32 v39;
	v40 =	vmax.f32 v36, $0.0e+00  }
0x7d: {  	s31 =	sshll.u32 s30, $0x4;
	v35 =	vld.idx.msk [tilespmem:v43+s21+$0x0], $0xffff;
	v36 =	vtrunc.f32 v61;
	v62 =	vmin.f32 v40, $1.000000000e+01;
	v40 =	vtrunc.f32 v27  }
0x7e: {  	s5 =	simm.s32 $0x800;
	s3 =	simm.s32 $0x10;
	s2 =	simm.s32 $0x80;
	v33 =	vld.idx.msk [tilespmem:v42+s21+$0x0], $0xffff;
	v27 =	vcvt.f32.s32 v45;
	v38 =	vtrunc.f32 v62  }
.LBB2_3:
0x7f: {  	s19 =	sand.u32 $0x3C00, s5;
	s10 =	sand.u32 $0x380, s3;
	s2 =	sadd.s32 $0x80, s2;
	v36 =	vcvt.f32.s32 v36;
	v39 =	vcvt.f32.s32 v39;
	v42 =	vld.idx.msk [tilespmem:v19+s21+$0x0], $0xffff  }
0x80: {  	v43 =	vcvt.f32.s32 v37;
	v44 =	vcvt.f32.s32 v40;
	s19 =	sor.u32 s10, s19;
	p1 =	slt.u32 s2, $0x3F80;
	v37 =	vld.idx.msk [tilespmem:v20+s21+$0x0], $0xffff  }
0x81: {  	v19 =	vcvt.f32.s32 v38;
	v34 =	vmul.f32 v34, v15;
	v15 =	vld [tilespmem:s19+$0x2F0]  }
0x82: {  	v21 =	vmul.f32 v21, v5;
	v5 =	vmov v8;
	v20 =	vcvt.f32.s32 v41;
	v8 =	vld [tilespmem:s19+$0x280]  }
0x83: {  	v22 =	vmul.f32 v22, v4;
	v23 =	vmul.f32 v23, v6;
	v4 =	vmovc v9;
	v34 =	vadd.f32 v34, v35;
	v9 =	vld [tilespmem:s19+$0x290]  }
0x84: {  	v13 =	vmul.f32 v24, v13;
	v17 =	vmul.f32 v26, v17;
	v6 =	vmovc v12;
	v21 =	vadd.f32 v21, v31;
	v12 =	vld [tilespmem:s19+$0x2A0]  }
0x85: {  	v16 =	vmul.f32 v25, v16;
	v18 =	vmul.f32 v28, v18;
	v22 =	vadd.f32 v22, v30;
	v31 =	vld [tilespmem:s19+$0x2B0];
	[tilespmem:s1+$0x82F0] =	vst v34  }
0x86: {  	v26 =	vadd.f32 v13, v32;
	v28 =	vld [tilespmem:s19+$0x2C0];
	v24 =	vmul.f32 v15, v2;
	[tilespmem:s4+$0x8280] =	vst v21;
	v21 =	vadd.f32 v23, v29  }
0x87: {  	v17 =	vadd.f32 v17, v33;
	v16 =	vadd.f32 v16, v42;
	v23 =	vmul.f32 v8, v2;
	v29 =	vld [tilespmem:s19+$0x2D0];
	[tilespmem:s4+$0x8290] =	vst v22  }
0x88: {  	v18 =	vadd.f32 v18, v37;
	v22 =	vmul.f32 v9, v2;
	v30 =	vld [tilespmem:s19+$0x2E0];
	v24 =	vadd.f32 v24, v3;
	[tilespmem:s4+$0x82A0] =	vst v21  }
0x89: {  	v13 =	vmov v14;
	v25 =	vadd.f32 v23, v3;
	v23 =	vmul.f32 v12, v2;
	v21 =	vld.idx.msk [tilespmem:v27+s22+$0x0], $0xffff;
	[tilespmem:s4+$0x82B0] =	vst v26  }
0x8a: {  	v32 =	vadd.f32 v22, v3;
	v45 =	vmul.f32 v31, v2;
	v24 =	vmax.f32 v24, $0.0e+00;
	v22 =	vld.idx.msk [tilespmem:v36+s22+$0x0], $0xffff;
	[tilespmem:s4+$0x82C0] =	vst v17  }
0x8b: {  	v33 =	vadd.f32 v23, v3;
	v38 =	vmul.f32 v28, v2;
	v24 =	vmin.f32 v24, $1.000000000e+01;
	v23 =	vld.idx.msk [tilespmem:v39+s22+$0x0], $0xffff;
	[tilespmem:s4+$0x82D0] =	vst v16  }
0x8c: {  	v40 =	vadd.f32 v45, v3;
	v34 =	vmul.f32 v29, v2;
	v37 =	vtrunc.f32 v24;
	v24 =	vld.idx.msk [tilespmem:v43+s22+$0x0], $0xffff;
	[tilespmem:s4+$0x82E0] =	vst v18;
	s4 =	smov.u32 s1;
	s1 =	smov.u32 s19  }
0x8d: {  	v14 =	vmovc v31;
	v42 =	vadd.f32 v38, v3;
	v35 =	vmul.f32 v30, v2;
	v41 =	vcvt.f32.s32 v37;
	v26 =	vld.idx.msk [tilespmem:v44+s22+$0x0], $0xffff  }
0x8e: {  	v17 =	vmovc v7;
	v31 =	vmax.f32 v25, $0.0e+00;
	v7 =	vmovc v28;
	v32 =	vmax.f32 v32, $0.0e+00;
	v34 =	vadd.f32 v34, v3;
	v25 =	vld.idx.msk [tilespmem:v19+s22+$0x0], $0xffff  }
0x8f: {  	v16 =	vmovc v10;
	v10 =	vmovc v29;
	v33 =	vmax.f32 v33, $0.0e+00;
	v37 =	vmax.f32 v40, $0.0e+00;
	v35 =	vadd.f32 v35, v3;
	v28 =	vld.idx.msk [tilespmem:v20+s22+$0x0], $0xffff  }
0x90: {  	v18 =	vmovc v11;
	v38 =	vmin.f32 v31, $1.000000000e+01;
	v11 =	vmovc v30;
	v29 =	vmax.f32 v42, $0.0e+00;
	v34 =	vmax.f32 v34, $0.0e+00;
	v31 =	vld.idx.msk [tilespmem:v27+s21+$0x0], $0xffff  }
0x91: {  	v27 =	vmin.f32 v32, $1.000000000e+01;
	v32 =	vmin.f32 v33, $1.000000000e+01;
	v33 =	vmax.f32 v35, $0.0e+00;
	v30 =	vld.idx.msk [tilespmem:v36+s21+$0x0], $0xffff  }
.Ltmp2:
0x92: {  	v40 =	vmin.f32 v29, $1.000000000e+01;
	v35 =	vmin.f32 v37, $1.000000000e+01;
	v42 =	vmin.f32 v34, $1.000000000e+01;
	v29 =	vld.idx.msk [tilespmem:v39+s21+$0x0], $0xffff;
	(pc) =	sbr.rel @p1 .LBB2_3-.Ltmp2, $4  }
0x93: {  	v45 =	vtrunc.f32 v38;
	v36 =	vtrunc.f32 v27;
	v33 =	vmin.f32 v33, $1.000000000e+01;
	v34 =	vld.idx.msk [tilespmem:v41+s22+$0x0], $0xffff  }
0x94: {  	v39 =	vtrunc.f32 v32;
	v37 =	vtrunc.f32 v35;
	v32 =	vld.idx.msk [tilespmem:v43+s21+$0x0], $0xffff  }
0x95: {  	v40 =	vtrunc.f32 v40;
	v38 =	vtrunc.f32 v42;
	v35 =	vld.idx.msk [tilespmem:v41+s21+$0x0], $0xffff  }
0x96: {  	s3 =	sadd.s32 $0x8, s3;
	s5 =	sadd.s32 $0x400, s5;
	v27 =	vcvt.f32.s32 v45;
	v41 =	vtrunc.f32 v33;
	v33 =	vld.idx.msk [tilespmem:v44+s21+$0x0], $0xffff  }
0x97: {  	_ =	sdelay $0x1  }
0x98: {  	v36 =	vcvt.f32.s32 v36  }
0x99: {  	v39 =	vcvt.f32.s32 v39  }
0x9a: {  	v37 =	vcvt.f32.s32 v37;
	v19 =	vld.idx.msk [tilespmem:v19+s21+$0x0], $0xffff  }
0x9b: {  	v40 =	vcvt.f32.s32 v40;
	v20 =	vld.idx.msk [tilespmem:v20+s21+$0x0], $0xffff  }
0x9c: {  	v38 =	vcvt.f32.s32 v38;
	v42 =	vld.idx.msk [tilespmem:v27+s22+$0x0], $0xffff  }
0x9d: {  	v41 =	vcvt.f32.s32 v41;
	v57 =	vld.idx.msk [tilespmem:v27+s21+$0x0], $0xffff  }
0x9e: {  	v5 =	vmul.f32 v21, v5;
	v43 =	vld.idx.msk [tilespmem:v36+s22+$0x0], $0xffff  }
0x9f: {  	v4 =	vmul.f32 v22, v4;
	v52 =	vld.idx.msk [tilespmem:v39+s22+$0x0], $0xffff  }
0xa0: {  	v13 =	vmul.f32 v24, v13;
	v5 =	vadd.f32 v5, v31;
	v53 =	vld.idx.msk [tilespmem:v37+s22+$0x0], $0xffff  }
0xa1: {  	v6 =	vmul.f32 v23, v6;
	v4 =	vadd.f32 v4, v30;
	v54 =	vld.idx.msk [tilespmem:v40+s22+$0x0], $0xffff  }
0xa2: {  	v15 =	vmul.f32 v34, v15;
	v13 =	vadd.f32 v13, v32;
	[tilespmem:s4+$0x8280] =	vst v5;
	v55 =	vld.idx.msk [tilespmem:v38+s22+$0x0], $0xffff  }
0xa3: {  	v17 =	vmul.f32 v26, v17;
	v5 =	vadd.f32 v6, v29;
	[tilespmem:s4+$0x8290] =	vst v4;
	v56 =	vld.idx.msk [tilespmem:v41+s22+$0x0], $0xffff  }
0xa4: {  	v16 =	vmul.f32 v25, v16;
	v15 =	vadd.f32 v15, v35;
	[tilespmem:s4+$0x82B0] =	vst v13;
	v4 =	vld.idx.msk [tilespmem:v36+s21+$0x0], $0xffff  }
0xa5: {  	v18 =	vmul.f32 v28, v18;
	v17 =	vadd.f32 v17, v33;
	[tilespmem:s4+$0x82A0] =	vst v5;
	v5 =	vld.idx.msk [tilespmem:v39+s21+$0x0], $0xffff  }
0xa6: {  	[tilespmem:s1+$0x82F0] =	vst v15;
	v16 =	vadd.f32 v16, v19;
	v58 =	vld.idx.msk [tilespmem:v37+s21+$0x0], $0xffff;
	v8 =	vmul.f32 v42, v8  }
0xa7: {  	v18 =	vadd.f32 v18, v20;
	[tilespmem:s4+$0x82C0] =	vst v17;
	v59 =	vld.idx.msk [tilespmem:v40+s21+$0x0], $0xffff;
	v9 =	vmul.f32 v43, v9  }
0xa8: {  	v60 =	vld.idx.msk [tilespmem:v38+s21+$0x0], $0xffff;
	[tilespmem:s4+$0x82D0] =	vst v16;
	v6 =	vadd.f32 v8, v57;
	v12 =	vmul.f32 v52, v12  }
0xa9: {  	v61 =	vld.idx.msk [tilespmem:v41+s21+$0x0], $0xffff;
	[tilespmem:s4+$0x82E0] =	vst v18;
	v14 =	vmul.f32 v53, v14;
	v4 =	vadd.f32 v9, v4  }
0xaa: {  	[tilespmem:s1+$0x8280] =	vst v6;
	v7 =	vmul.f32 v54, v7;
	v5 =	vadd.f32 v12, v5  }
0xab: {  	v62 =	vmul.f32 v55, v10;
	v63 =	vadd.f32 v14, v58;
	[tilespmem:s1+$0x8290] =	vst v4  }
0xac: {  	p1 =	sne.s32 s30, $0x3;
	v7 =	vadd.f32 v7, v59;
	v4 =	vmul.f32 v56, v11;
	[tilespmem:s1+$0x82A0] =	vst v5  }
.Ltmp3:
0xad: {  	v5 =	vadd.f32 v62, v60;
	[tilespmem:s1+$0x82B0] =	vst v63;
	(pc) =	sbr.rel @p1 .LBB2_6-.Ltmp3, $4  }
0xae: {  	[tilespmem:s1+$0x82C0] =	vst v7;
	v4 =	vadd.f32 v4, v61  }
0xaf: {  	s2 =	sshll.u32 s30, $0xC;
	[tilespmem:s1+$0x82D0] =	vst v5  }
0xb0: {  	s19 =	sadd.s32 s2, s11;
	[tilespmem:s1+$0x82E0] =	vst v4  }
0xb1: {  	[hbm4b:s19+s8] =	stream.linear.scatter [tilespmem:s23], [sflag:$0x3], $0x4000, $0x38;
	[tilespmem:$0x10280] =	vst v63  }
.Ltmp4:
0xb2: {  	(pc) =	sbr.rel .LBB2_7-.Ltmp4, $4  }
0xb3: {  	_ = 	snop  }
0xb4: {  	_ =	swait.ge [sflag:s24], $0x4000  }
0xb5: {  	[sflag:s24] =	ssyncset.done $0x0  }
0xb6: {  	[sflag:s24] =	ssyncadd.s32 $0xFFFFC000  }
.LBB2_6:
0xb7: {  	s1 =	sadd.s32 s31, s12  }
0xb8: {  	s1 =	sshll.u32 s1, $0x8  }
.Ltmp5:
0xb9: {  	s1 =	sadd.s32 s0, s1;
	(pc) =	sbr.rel @p0 .LBB2_8-.Ltmp5, $4  }
0xba: {  	[tilespmem:s15], [sflag:$0x1] =	stream.linear.gather [hbm4b:s1+s8], $0x4000, $0x38;
	[tilespmem:$0x10280] =	vst v63  }
0xbb: {  	_ =	swait.ge [sflag:s24], $0x4000  }
0xbc: {  	[sflag:s24] =	ssyncset.done $0x0  }
0xbd: {  	[sflag:s24] =	ssyncadd.s32 $0xFFFFC000  }
.LBB2_7:
0xbe: {  	_ =	swait.ge [sflag:s25], $0x4000  }
0xbf: {  	[sflag:s25] =	ssyncset.done $0x0  }
0xc0: {  	[sflag:s25] =	ssyncadd.s32 $0xFFFFC000  }
.LBB2_8:
0xc1: {  	s1 =	simm.s32 $0x0  }
0xc2: {  	s2 =	sand.u32 $0x3C00, s1;
	s1 =	sand.u32 $0x380, s1  }
0xc3: {  	s4 =	sor.u32 s1, s2  }
0xc4: {  	v10 =	vld [tilespmem:s4+$0x42F0]  }
0xc5: {  	v5 =	vld [tilespmem:s4+$0x4280]  }
0xc6: {  	v4 =	vld [tilespmem:s4+$0x4290]  }
0xc7: {  	v6 =	vld [tilespmem:s4+$0x42A0]  }
0xc8: {  	v13 =	vld [tilespmem:s4+$0x42B0]  }
0xc9: {  	v17 =	vld [tilespmem:s4+$0x42C0]  }
0xca: {  	v16 =	vld [tilespmem:s4+$0x42D0]  }
0xcb: {  	v18 =	vld [tilespmem:s4+$0x42E0]  }
0xcc: {  	v7 =	vmul.f32 v10, v2;
	v8 =	vmul.f32 v5, v2  }
0xcd: {  	v9 =	vmul.f32 v4, v2;
	v11 =	vmul.f32 v6, v2  }
0xce: {  	v12 =	vmul.f32 v13, v2;
	v14 =	vmul.f32 v17, v2  }
0xcf: {  	v15 =	vmul.f32 v16, v2;
	v7 =	vadd.f32 v7, v3;
	v8 =	vadd.f32 v8, v3  }
0xd0: {  	v19 =	vmul.f32 v18, v2;
	v9 =	vadd.f32 v9, v3;
	v11 =	vadd.f32 v11, v3  }
0xd1: {  	s10 =	simm.s32 $0x8;
	s19 =	simm.s32 $0x400;
	v12 =	vadd.f32 v12, v3;
	v14 =	vadd.f32 v14, v3;
	v7 =	vmax.f32 v7, $0.0e+00  }
0xd2: {  	s2 =	sand.u32 $0x3C00, s19;
	s1 =	sand.u32 $0x380, s10;
	v15 =	vadd.f32 v15, v3;
	v19 =	vadd.f32 v19, v3;
	v7 =	vmin.f32 v7, $1.000000000e+01  }
0xd3: {  	s1 =	sor.u32 s1, s2;
	v8 =	vmax.f32 v8, $0.0e+00;
	v9 =	vmax.f32 v9, $0.0e+00;
	v7 =	vtrunc.f32 v7  }
0xd4: {  	v11 =	vmax.f32 v11, $0.0e+00;
	v20 =	vmax.f32 v15, $0.0e+00;
	v15 =	vld [tilespmem:s1+$0x42F0];
	v7 =	vcvt.f32.s32 v7  }
0xd5: {  	v12 =	vmax.f32 v12, $0.0e+00;
	v14 =	vmax.f32 v14, $0.0e+00;
	v9 =	vmin.f32 v9, $1.000000000e+01  }
0xd6: {  	v11 =	vmin.f32 v11, $1.000000000e+01;
	v23 =	vtrunc.f32 v9;
	v9 =	vmin.f32 v14, $1.000000000e+01  }
0xd7: {  	v11 =	vtrunc.f32 v11;
	v14 =	vmin.f32 v20, $1.000000000e+01;
	v20 =	vtrunc.f32 v9;
	v9 =	vld [tilespmem:s1+$0x4290]  }
0xd8: {  	v19 =	vmax.f32 v19, $0.0e+00;
	v24 =	vtrunc.f32 v14;
	v32 =	vcvt.f32.s32 v11;
	v14 =	vld [tilespmem:s1+$0x42B0]  }
0xd9: {  	v19 =	vmin.f32 v19, $1.000000000e+01;
	v11 =	vld [tilespmem:s1+$0x42E0];
	v42 =	vcvt.f32.s32 v20;
	v25 =	vmul.f32 v15, v2  }
0xda: {  	v8 =	vmin.f32 v8, $1.000000000e+01;
	v29 =	vcvt.f32.s32 v23;
	v23 =	vtrunc.f32 v19;
	v21 =	vld.idx.msk [tilespmem:v7+s22+$0x0], $0xffff  }
0xdb: {  	v19 =	vcvt.f32.s32 v24;
	v20 =	vcvt.f32.s32 v23;
	v25 =	vadd.f32 v25, v3;
	v22 =	vld.idx.msk [tilespmem:v7+s21+$0x0], $0xffff  }
0xdc: {  	v23 =	vmul.f32 v9, v2;
	v7 =	vmin.f32 v12, $1.000000000e+01;
	v12 =	vtrunc.f32 v8;
	v8 =	vld [tilespmem:s1+$0x4280]  }
0xdd: {  	v26 =	vmul.f32 v14, v2;
	v27 =	vcvt.f32.s32 v12;
	v12 =	vld [tilespmem:s1+$0x42A0]  }
0xde: {  	v25 =	vmax.f32 v25, $0.0e+00;
	v30 =	vadd.f32 v23, v3;
	v23 =	vld.idx.msk [tilespmem:v32+s22+$0x0], $0xffff  }
0xdf: {  	v7 =	vtrunc.f32 v7;
	v25 =	vmin.f32 v25, $1.000000000e+01;
	v35 =	vadd.f32 v26, v3;
	v26 =	vld.idx.msk [tilespmem:v42+s22+$0x0], $0xffff  }
0xe0: {  	v33 =	vcvt.f32.s32 v7;
	v7 =	vld [tilespmem:s1+$0x42C0];
	v25 =	vtrunc.f32 v25  }
0xe1: {  	v37 =	vmul.f32 v11, v2;
	v43 =	vcvt.f32.s32 v25;
	v25 =	vld.idx.msk [tilespmem:v19+s22+$0x0], $0xffff  }
0xe2: {  	v30 =	vmax.f32 v30, $0.0e+00;
	v21 =	vmul.f32 v21, v10;
	v10 =	vld [tilespmem:s1+$0x42D0]  }
0xe3: {  	v37 =	vadd.f32 v37, v3;
	v61 =	vmin.f32 v30, $1.000000000e+01;
	v30 =	vld.idx.msk [tilespmem:v29+s21+$0x0], $0xffff;
	v24 =	vmul.f32 v8, v2  }
0xe4: {  	v35 =	vmax.f32 v35, $0.0e+00;
	v41 =	vadd.f32 v21, v22;
	v21 =	vld.idx.msk [tilespmem:v27+s22+$0x0], $0xffff  }
0xe5: {  	v44 =	vmax.f32 v37, $0.0e+00;
	v28 =	vadd.f32 v24, v3;
	v24 =	vmul.f32 v12, v2;
	v22 =	vld.idx.msk [tilespmem:v29+s22+$0x0], $0xffff  }
0xe6: {  	v35 =	vmin.f32 v35, $1.000000000e+01;
	v63 =	vmin.f32 v44, $1.000000000e+01;
	v34 =	vmul.f32 v7, v2;
	v29 =	vld.idx.msk [tilespmem:v32+s21+$0x0], $0xffff  }
0xe7: {  	v37 =	vtrunc.f32 v35;
	v32 =	vld.idx.msk [tilespmem:v33+s21+$0x0], $0xffff;
	v31 =	vadd.f32 v24, v3;
	v36 =	vmul.f32 v10, v2  }
0xe8: {  	v24 =	vld.idx.msk [tilespmem:v33+s22+$0x0], $0xffff;
	v34 =	vadd.f32 v34, v3;
	v38 =	vmax.f32 v28, $0.0e+00;
	[tilespmem:s4+$0xC2F0] =	vst v41;
	v41 =	vtrunc.f32 v63  }
0xe9: {  	v28 =	vld.idx.msk [tilespmem:v20+s22+$0x0], $0xffff;
	v38 =	vmin.f32 v38, $1.000000000e+01;
	v39 =	vmax.f32 v31, $0.0e+00;
	v36 =	vadd.f32 v36, v3  }
0xea: {  	v31 =	vld.idx.msk [tilespmem:v27+s21+$0x0], $0xffff;
	v27 =	vmax.f32 v34, $0.0e+00;
	v45 =	vtrunc.f32 v38;
	v39 =	vmin.f32 v39, $1.000000000e+01  }
0xeb: {  	v34 =	vld.idx.msk [tilespmem:v43+s22+$0x0], $0xffff;
	v27 =	vmin.f32 v27, $1.000000000e+01;
	v40 =	vmax.f32 v36, $0.0e+00;
	v36 =	vtrunc.f32 v61  }
0xec: {  	v35 =	vld.idx.msk [tilespmem:v43+s21+$0x0], $0xffff;
	v62 =	vmin.f32 v40, $1.000000000e+01;
	v40 =	vtrunc.f32 v39;
	v39 =	vtrunc.f32 v27  }
0xed: {  	s3 =	simm.s32 $0x10;
	s5 =	simm.s32 $0x800;
	s2 =	simm.s32 $0x80;
	v33 =	vld.idx.msk [tilespmem:v42+s21+$0x0], $0xffff;
	v27 =	vcvt.f32.s32 v45;
	v38 =	vtrunc.f32 v62  }
.LBB2_9:
0xee: {  	s10 =	sand.u32 $0x3C00, s5;
	s19 =	sand.u32 $0x380, s3;
	s2 =	sadd.s32 $0x80, s2;
	v36 =	vcvt.f32.s32 v36;
	v40 =	vcvt.f32.s32 v40;
	v42 =	vld.idx.msk [tilespmem:v19+s21+$0x0], $0xffff  }
0xef: {  	v43 =	vcvt.f32.s32 v37;
	v44 =	vcvt.f32.s32 v39;
	s19 =	sor.u32 s19, s10;
	p0 =	slt.u32 s2, $0x3F80;
	v37 =	vld.idx.msk [tilespmem:v20+s21+$0x0], $0xffff  }
0xf0: {  	v19 =	vcvt.f32.s32 v38;
	v34 =	vmul.f32 v34, v15;
	v15 =	vld [tilespmem:s19+$0x42F0]  }
0xf1: {  	v21 =	vmul.f32 v21, v5;
	v5 =	vmov v8;
	v20 =	vcvt.f32.s32 v41;
	v8 =	vld [tilespmem:s19+$0x4280]  }
0xf2: {  	v22 =	vmul.f32 v22, v4;
	v23 =	vmul.f32 v23, v6;
	v4 =	vmovc v9;
	v34 =	vadd.f32 v34, v35;
	v9 =	vld [tilespmem:s19+$0x4290]  }
0xf3: {  	v13 =	vmul.f32 v24, v13;
	v17 =	vmul.f32 v26, v17;
	v6 =	vmovc v12;
	v21 =	vadd.f32 v21, v31;
	v12 =	vld [tilespmem:s19+$0x42A0]  }
0xf4: {  	v16 =	vmul.f32 v25, v16;
	v18 =	vmul.f32 v28, v18;
	v22 =	vadd.f32 v22, v30;
	v31 =	vld [tilespmem:s19+$0x42B0];
	[tilespmem:s1+$0xC2F0] =	vst v34  }
0xf5: {  	v26 =	vadd.f32 v13, v32;
	v28 =	vld [tilespmem:s19+$0x42C0];
	v24 =	vmul.f32 v15, v2;
	[tilespmem:s4+$0xC280] =	vst v21;
	v21 =	vadd.f32 v23, v29  }
0xf6: {  	v17 =	vadd.f32 v17, v33;
	v16 =	vadd.f32 v16, v42;
	v23 =	vmul.f32 v8, v2;
	v29 =	vld [tilespmem:s19+$0x42D0];
	[tilespmem:s4+$0xC290] =	vst v22  }
0xf7: {  	v18 =	vadd.f32 v18, v37;
	v22 =	vmul.f32 v9, v2;
	v30 =	vld [tilespmem:s19+$0x42E0];
	v24 =	vadd.f32 v24, v3;
	[tilespmem:s4+$0xC2A0] =	vst v21  }
0xf8: {  	v13 =	vmov v14;
	v25 =	vadd.f32 v23, v3;
	v23 =	vmul.f32 v12, v2;
	v21 =	vld.idx.msk [tilespmem:v27+s22+$0x0], $0xffff;
	[tilespmem:s4+$0xC2B0] =	vst v26  }
0xf9: {  	v32 =	vadd.f32 v22, v3;
	v45 =	vmul.f32 v31, v2;
	v24 =	vmax.f32 v24, $0.0e+00;
	v22 =	vld.idx.msk [tilespmem:v36+s22+$0x0], $0xffff;
	[tilespmem:s4+$0xC2C0] =	vst v17  }
0xfa: {  	v33 =	vadd.f32 v23, v3;
	v38 =	vmul.f32 v28, v2;
	v24 =	vmin.f32 v24, $1.000000000e+01;
	v23 =	vld.idx.msk [tilespmem:v40+s22+$0x0], $0xffff;
	[tilespmem:s4+$0xC2D0] =	vst v16  }
0xfb: {  	v39 =	vadd.f32 v45, v3;
	v34 =	vmul.f32 v29, v2;
	v37 =	vtrunc.f32 v24;
	v24 =	vld.idx.msk [tilespmem:v43+s22+$0x0], $0xffff;
	[tilespmem:s4+$0xC2E0] =	vst v18;
	s4 =	smov.u32 s1;
	s1 =	smov.u32 s19  }
0xfc: {  	v14 =	vmovc v31;
	v42 =	vadd.f32 v38, v3;
	v35 =	vmul.f32 v30, v2;
	v41 =	vcvt.f32.s32 v37;
	v26 =	vld.idx.msk [tilespmem:v44+s22+$0x0], $0xffff  }
0xfd: {  	v17 =	vmovc v7;
	v31 =	vmax.f32 v25, $0.0e+00;
	v7 =	vmovc v28;
	v32 =	vmax.f32 v32, $0.0e+00;
	v34 =	vadd.f32 v34, v3;
	v25 =	vld.idx.msk [tilespmem:v19+s22+$0x0], $0xffff  }
0xfe: {  	v16 =	vmovc v10;
	v10 =	vmovc v29;
	v33 =	vmax.f32 v33, $0.0e+00;
	v37 =	vmax.f32 v39, $0.0e+00;
	v35 =	vadd.f32 v35, v3;
	v28 =	vld.idx.msk [tilespmem:v20+s22+$0x0], $0xffff  }
0xff: {  	v18 =	vmovc v11;
	v38 =	vmin.f32 v31, $1.000000000e+01;
	v11 =	vmovc v30;
	v29 =	vmax.f32 v42, $0.0e+00;
	v34 =	vmax.f32 v34, $0.0e+00;
	v31 =	vld.idx.msk [tilespmem:v27+s21+$0x0], $0xffff  }
0x100: {  	v27 =	vmin.f32 v32, $1.000000000e+01;
	v32 =	vmin.f32 v33, $1.000000000e+01;
	v33 =	vmax.f32 v35, $0.0e+00;
	v30 =	vld.idx.msk [tilespmem:v36+s21+$0x0], $0xffff  }
.Ltmp6:
0x101: {  	v39 =	vmin.f32 v29, $1.000000000e+01;
	v35 =	vmin.f32 v37, $1.000000000e+01;
	v42 =	vmin.f32 v34, $1.000000000e+01;
	v29 =	vld.idx.msk [tilespmem:v40+s21+$0x0], $0xffff;
	(pc) =	sbr.rel @p0 .LBB2_9-.Ltmp6, $4  }
0x102: {  	v45 =	vtrunc.f32 v38;
	v36 =	vtrunc.f32 v27;
	v33 =	vmin.f32 v33, $1.000000000e+01;
	v34 =	vld.idx.msk [tilespmem:v41+s22+$0x0], $0xffff  }
0x103: {  	v40 =	vtrunc.f32 v32;
	v37 =	vtrunc.f32 v35;
	v32 =	vld.idx.msk [tilespmem:v43+s21+$0x0], $0xffff  }
0x104: {  	v39 =	vtrunc.f32 v39;
	v38 =	vtrunc.f32 v42;
	v35 =	vld.idx.msk [tilespmem:v41+s21+$0x0], $0xffff  }
0x105: {  	s3 =	sadd.s32 $0x8, s3;
	s5 =	sadd.s32 $0x400, s5;
	v27 =	vcvt.f32.s32 v45;
	v41 =	vtrunc.f32 v33;
	v33 =	vld.idx.msk [tilespmem:v44+s21+$0x0], $0xffff  }
0x106: {  	_ =	sdelay $0x1  }
0x107: {  	v36 =	vcvt.f32.s32 v36  }
0x108: {  	v40 =	vcvt.f32.s32 v40  }
0x109: {  	v37 =	vcvt.f32.s32 v37;
	v19 =	vld.idx.msk [tilespmem:v19+s21+$0x0], $0xffff  }
0x10a: {  	v39 =	vcvt.f32.s32 v39;
	v20 =	vld.idx.msk [tilespmem:v20+s21+$0x0], $0xffff  }
0x10b: {  	v38 =	vcvt.f32.s32 v38;
	v42 =	vld.idx.msk [tilespmem:v27+s22+$0x0], $0xffff  }
0x10c: {  	v41 =	vcvt.f32.s32 v41;
	v57 =	vld.idx.msk [tilespmem:v27+s21+$0x0], $0xffff  }
0x10d: {  	v5 =	vmul.f32 v21, v5;
	v43 =	vld.idx.msk [tilespmem:v36+s22+$0x0], $0xffff  }
0x10e: {  	v4 =	vmul.f32 v22, v4;
	v52 =	vld.idx.msk [tilespmem:v40+s22+$0x0], $0xffff  }
0x10f: {  	v13 =	vmul.f32 v24, v13;
	v5 =	vadd.f32 v5, v31;
	v53 =	vld.idx.msk [tilespmem:v37+s22+$0x0], $0xffff  }
0x110: {  	v6 =	vmul.f32 v23, v6;
	v4 =	vadd.f32 v4, v30;
	v54 =	vld.idx.msk [tilespmem:v39+s22+$0x0], $0xffff  }
0x111: {  	v15 =	vmul.f32 v34, v15;
	v13 =	vadd.f32 v13, v32;
	[tilespmem:s4+$0xC280] =	vst v5;
	v55 =	vld.idx.msk [tilespmem:v38+s22+$0x0], $0xffff  }
0x112: {  	v17 =	vmul.f32 v26, v17;
	v5 =	vadd.f32 v6, v29;
	[tilespmem:s4+$0xC290] =	vst v4;
	v56 =	vld.idx.msk [tilespmem:v41+s22+$0x0], $0xffff  }
0x113: {  	v16 =	vmul.f32 v25, v16;
	v15 =	vadd.f32 v15, v35;
	[tilespmem:s4+$0xC2B0] =	vst v13;
	v4 =	vld.idx.msk [tilespmem:v36+s21+$0x0], $0xffff  }
0x114: {  	v18 =	vmul.f32 v28, v18;
	v17 =	vadd.f32 v17, v33;
	[tilespmem:s4+$0xC2A0] =	vst v5;
	v5 =	vld.idx.msk [tilespmem:v40+s21+$0x0], $0xffff  }
0x115: {  	[tilespmem:s1+$0xC2F0] =	vst v15;
	v16 =	vadd.f32 v16, v19;
	v58 =	vld.idx.msk [tilespmem:v37+s21+$0x0], $0xffff;
	v8 =	vmul.f32 v42, v8  }
0x116: {  	v18 =	vadd.f32 v18, v20;
	[tilespmem:s4+$0xC2C0] =	vst v17;
	v59 =	vld.idx.msk [tilespmem:v39+s21+$0x0], $0xffff;
	v9 =	vmul.f32 v43, v9  }
0x117: {  	v60 =	vld.idx.msk [tilespmem:v38+s21+$0x0], $0xffff;
	[tilespmem:s4+$0xC2D0] =	vst v16;
	v6 =	vadd.f32 v8, v57;
	v12 =	vmul.f32 v52, v12  }
0x118: {  	v61 =	vld.idx.msk [tilespmem:v41+s21+$0x0], $0xffff;
	[tilespmem:s4+$0xC2E0] =	vst v18;
	v14 =	vmul.f32 v53, v14;
	v4 =	vadd.f32 v9, v4  }
0x119: {  	[tilespmem:s1+$0xC280] =	vst v6;
	v7 =	vmul.f32 v54, v7;
	v5 =	vadd.f32 v12, v5  }
0x11a: {  	v62 =	vmul.f32 v55, v10;
	v63 =	vadd.f32 v14, v58;
	[tilespmem:s1+$0xC290] =	vst v4  }
0x11b: {  	p0 =	seq.s32 s30, $0x3;
	v7 =	vadd.f32 v7, v59;
	v4 =	vmul.f32 v56, v11;
	[tilespmem:s1+$0xC2A0] =	vst v5  }
.Ltmp7:
0x11c: {  	s2 =	sadd.s32 s31, s7;
	v5 =	vadd.f32 v62, v60;
	[tilespmem:s1+$0xC2B0] =	vst v63;
	(pc) =	sbr.rel @p0 .LBB2_12-.Ltmp7, $4  }
0x11d: {  	s2 =	sshll.u32 s2, $0x8;
	[tilespmem:s1+$0xC2C0] =	vst v7;
	v4 =	vadd.f32 v4, v61  }
0x11e: {  	s2 =	sadd.s32 s6, s2;
	[tilespmem:s1+$0xC2D0] =	vst v5  }
0x11f: {  	s19 =	sadd.s32 $0x800, s2;
	[tilespmem:s1+$0xC2E0] =	vst v4  }
0x120: {  	[hbm4b:s19+s8] =	stream.linear.scatter [tilespmem:s26], [sflag:$0x4], $0x4000, $0x38;
	[tilespmem:$0x10280] =	vst v63  }
.Ltmp8:
0x121: {  	(pc) =	sbr.rel .LBB2_2-.Ltmp8, $4  }
0x122: {  	s1 =	sadd.s32 s31, s13  }
0x123: {  	s1 =	sshll.u32 s1, $0x8  }
0x124: {  	s30 =	sadd.s32 $0x1, s30;
	s1 =	sadd.s32 s0, s1  }
0x125: {  	[tilespmem:s16], [sflag:$0x2] =	stream.linear.gather [hbm4b:s1+s8], $0x4000, $0x38;
	[tilespmem:$0x10280] =	vst v63  }
.LBB2_13:
0x126: {  	_ =	sfence.sel $0x180000  }
0x127: {  	[bflag:$0x0] =	sbarrier.arrive $0xFFFF  }
0x128: {  	_ =	strace $0x90000047  }
0x129: {  	s0 =	stileid.u32;
	[bflag:$0x2] =	sbarrier.arrive $0xFFFF  }
0x12a: {  	p0 =	sne.s32 s0, $0x0;
	s0 =	rddreg [dreg:$0x5]  }
0x12b: {  	s0 =	sadd.s32 @!p0 $0x100000, s0  }
0x12c: {  	[sflag:s0] =	ssyncadd.tile.s32 @!p0 $0x1;
	_ =	shalt  }
.Lfunc_end2:
_tile_overlayer_lowered:
.L_overlay_start_2:
0x12d: {  	(tag) =	ssettag $0x2  }
0x12e: {  	s0 =	rddreg [dreg:$0x0];
	s2 =	stileid.u32  }
0x12f: {  	s1 =	rddreg [dreg:$0x1];
	p0 =	sne.s32 s2, $0x0  }
0x130: {  	s3 =	rddreg [dreg:$0x2];
	[bflag:$0x3] =	sbarrier.arrive $0xFFFF;
	s2 =	simm.s32 @!p0 $0x1C05  }
0x131: {  	[timem:s3], [sflag:s2] =	dma.local @!p0 [hbm:s0], s1  }
0x132: {  	s0 =	simm.s32 @!p0 $0x5  }
0x133: {  	_ =	swait.ge @!p0 [sflag:s0], s1  }
0x134: {  	s1 =	ssub.s32 @!p0 $0x0, s1;
	[sflag:s0] =	ssyncset.done @!p0 $0x0  }
0x135: {  	[sflag:s0] =	ssyncadd.s32 @!p0 s1  }
0x136: {  	[bflag:$0x3] =	sbarrier.arrive $0xFFFF  }
0x137: {  	_ =	shalt  }

</sc_bundles>
